<compile_context>
chip_gen: v7x
topology: tpu7x:2x2x1
jax: 0.10.2.dev20260603
libtpu: 0.0.44.dev20260713+nightly
codegen_flags: <defaults>
</compile_context>

<pallas_src>
import functools

import jax
import jax.numpy as jnp
from jax import lax
from jax.experimental import pallas as pl
from jax.experimental.pallas import tpu as pltpu
from jax.experimental.pallas import tpu_sc as plsc

N_CAT = 26
VOCAB1 = 100001
EMB = 32
BATCH = 16384
NROWS = BATCH * N_CAT

NC = 2
NS = 16
L = 16
NW = NC * NS
RPW = NROWS // NW
CH = 128
NCH = RPW // CH
NBUF = 4


def _sc_gather_body(x_hbm, tbl_hbm, out_hbm, xv, idxv,
                    b0, b1, b2, b3, s0, s1, s2, s3):
    bufs = [b0, b1, b2, b3]
    sems = [s0, s1, s2, s3]
    wid = lax.axis_index("s") * NC + lax.axis_index("c")
    base = pl.multiple_of(wid * RPW, CH)

    pltpu.sync_copy(x_hbm.at[pl.ds(base, RPW)], xv)

    def ibody(c, carry):
        lanes = lax.iota(jnp.int32, L) + (base + c * L)
        f = lanes % N_CAT
        idxv[pl.ds(c * L, L)] = xv[pl.ds(c * L, L)] + 1 + f * VOCAB1
        return carry

    lax.fori_loop(0, RPW // L, ibody, 0)

    def start(j, b):
        off = pl.multiple_of(j * CH, CH)
        pltpu.async_copy(tbl_hbm.at[idxv.at[pl.ds(off, CH)]], bufs[b], sems[b])

    for b in range(NBUF):
        start(b, b)

    def gbody(g, carry):
        for b in range(NBUF):
            j = g * NBUF + b
            pltpu.make_async_copy(tbl_hbm.at[pl.ds(0, CH)], bufs[b],
                                  sems[b]).wait()
            dst = pl.multiple_of(base + j * CH, CH)
            pltpu.sync_copy(bufs[b], out_hbm.at[pl.ds(dst, CH)])
            nxt = j + NBUF

            @pl.when(nxt < NCH)
            def _():
                start(nxt, b)
        return carry

    lax.fori_loop(0, NCH // NBUF, gbody, 0)


def _sc_gather(x_flat, tbl_flat):
    mesh = plsc.VectorSubcoreMesh(core_axis_name="c", subcore_axis_name="s",
                                  num_cores=NC, num_subcores=NS)
    return pl.kernel(
        _sc_gather_body,
        out_type=jax.ShapeDtypeStruct((NROWS, EMB), jnp.float32),
        mesh=mesh,
        scratch_types=[
            pltpu.VMEM((RPW,), jnp.int32),
            pltpu.VMEM((RPW,), jnp.int32),
        ] + [pltpu.VMEM((CH, EMB), jnp.float32)] * NBUF
          + [pltpu.SemaphoreType.DMA] * NBUF,
        compiler_params=pltpu.CompilerParams(use_tc_tiling_on_sc=False),
        name="sc_embed_gather",
    )(x_flat, tbl_flat)


RBLK = 2048
NBLK = -(-VOCAB1 // RBLK)


def _maxabs_body(tbl_ref, out_ref):
    nb = pl.program_id(1)

    @pl.when(nb == 0)
    def _():
        out_ref[...] = jnp.zeros_like(out_ref)

    xb = tbl_ref[0]
    rows = nb * RBLK + lax.broadcasted_iota(jnp.int32, (RBLK, EMB), 0)
    m = jnp.max(jnp.where(rows < VOCAB1, jnp.abs(xb), 0.0))
    out_ref[...] = jnp.maximum(out_ref[...], m)


def _maxabs(tables):
    return pl.pallas_call(
        _maxabs_body,
        grid=(N_CAT, NBLK),
        in_specs=[pl.BlockSpec((1, RBLK, EMB), lambda f, nb: (f, nb, 0))],
        out_specs=pl.BlockSpec((1, 8, 128), lambda f, nb: (f, 0, 0)),
        out_shape=jax.ShapeDtypeStruct((N_CAT, 8, 128), jnp.float32),
    )(tables)


RB = 512
FDIM = N_CAT * EMB


def _tanh_body(g_ref, s_ref, o_ref):
    o_ref[...] = jnp.tanh(0.2 * g_ref[...] / s_ref[...])


def _tanh_scale(g2, scale_row):
    return pl.pallas_call(
        _tanh_body,
        grid=(BATCH // RB,),
        in_specs=[pl.BlockSpec((RB, FDIM), lambda i: (i, 0)),
                  pl.BlockSpec((1, FDIM), lambda i: (0, 0))],
        out_specs=pl.BlockSpec((RB, FDIM), lambda i: (i, 0)),
        out_shape=jax.ShapeDtypeStruct((BATCH, FDIM), jnp.float32),
    )(g2, scale_row)


def kernel(x, tables):
    x_flat = x.reshape(NROWS).astype(jnp.int32)
    tbl_flat = tables.reshape(N_CAT * VOCAB1, EMB)

    gathered = _sc_gather(x_flat, tbl_flat)
    maxima = _maxabs(tables)

    scale_row = jnp.repeat(maxima[:, 0, 0], EMB).reshape(1, FDIM)
    g2 = gathered.reshape(BATCH, FDIM)
    out2 = _tanh_scale(g2, scale_row)
    return out2.reshape(BATCH, N_CAT, EMB)

# --- scband reference (transcript-rebuilt; emitter-appended) ---
"""Pipeline reference for scband-embedder-1812476198995 (READ-ONLY COPY).

The authoritative reference and input builder live on the scoring server;
editing this copy changes nothing except your own understanding.
"""

import jax, jax.numpy as jnp
import numpy as np

N_CAT = 26
VOCAB = 100000
EMB_DIM = 32
BATCH = 16384


def setup_inputs(seed: int = 0) -> dict:
    key = jax.random.key(seed)
    kx, kt = jax.random.split(key)
    x = jax.random.randint(kx, (BATCH, N_CAT), 0, VOCAB, dtype=jnp.int32)
    # 26 embedding tables of shape [VOCAB+1, EMB_DIM], stacked. torch nn.Embedding init ~ N(0,1).
    tables = jax.random.normal(kt, (N_CAT, VOCAB + 1, EMB_DIM), dtype=jnp.float32)
    return {"x": x, "tables": tables}


def reference(x, tables):
    # Faithful translation of Embedder.forward with d == n_cat_features
    # (all columns categorical, so the dense passthrough loop is empty).
    idx = x.astype(jnp.int32) + 1

    def per_field(table, ids):
        # init_max is computed from the (initial) weights and detached in torch
        init_max = jax.lax.stop_gradient(jnp.max(jnp.abs(table)))
        e = jnp.take(table, ids, axis=0)  # embedding lookup -> [BATCH, EMB_DIM]
        return jnp.tanh(0.2 * e / init_max)

    # vmap over the 26 categorical fields -> out[:, f, :]
    out = jax.vmap(per_field, in_axes=(0, 1), out_axes=1)(tables, idx)
    return out  # [BATCH, N_CAT, EMB_DIM]

if __name__ == "__main__":
    import jax
    _d = setup_inputs()
    print(jax.jit(kernel)(*tuple(_d.values())))

</pallas_src>

<mosaic_0001>
#map = affine_map<(d0, d1) -> (0)>
#map1 = affine_map<(d0, d1) -> (0, 0)>
module attributes {stable_mosaic.version = 14 : i64} {
  func.func @sc_embed_gather(%arg0: i32, %arg1: i32, %arg2: memref<425984xi32, #tpu.memory_space<hbm>>, %arg3: memref<2600026x32xf32, #tpu.memory_space<hbm>>, %arg4: memref<425984x32xf32, #tpu.memory_space<hbm>>, %arg5: memref<13312xi32, #tpu.memory_space<vmem>>, %arg6: memref<13312xi32, #tpu.memory_space<vmem>>, %arg7: memref<128x32xf32, #tpu.memory_space<vmem>>, %arg8: memref<128x32xf32, #tpu.memory_space<vmem>>, %arg9: memref<128x32xf32, #tpu.memory_space<vmem>>, %arg10: memref<128x32xf32, #tpu.memory_space<vmem>>, %arg11: memref<!tpu.dma_semaphore, #tpu.memory_space<semaphore_mem>>, %arg12: memref<!tpu.dma_semaphore, #tpu.memory_space<semaphore_mem>>, %arg13: memref<!tpu.dma_semaphore, #tpu.memory_space<semaphore_mem>>, %arg14: memref<!tpu.dma_semaphore, #tpu.memory_space<semaphore_mem>>) attributes {dimension_semantics = [#tpu.dimension_semantics<core_parallel>, #tpu.dimension_semantics<subcore_parallel>], iteration_bounds = array<i64: 2, 16>, scalar_prefetch = 0 : i64, scratch_operands = 10 : i64, tpu.core_type = #tpu.core_type<sc_vector_subcore>, window_params = [{transform_indices = #map}, {transform_indices = #map1}, {transform_indices = #map1}]} {
    %mul3A = arith.constant 2 : i32
    %mul3A_0 = arith.muli %arg1, %mul3A : i32
    %add3A = arith.addi %mul3A_0, %arg0 : i32
    %mul3A_1 = arith.constant 13312 : i32
    %mul3A_2 = arith.muli %add3A, %mul3A_1 : i32
    %multiple_of3A = tpu.assume_multiple %mul3A_2, 128 : i32
    "tpu.region"() ({
      %run_scoped3A = tpu.sem_alloc : memref<!tpu.dma_semaphore, #tpu.memory_space<semaphore_mem>>
      %dma_start3A_37 = tpu.memref_slice %arg2[%multiple_of3A] : memref<425984xi32, #tpu.memory_space<hbm>> -> memref<13312xi32, #tpu.memory_space<hbm>>
      %dma_start3A_38 = tpu.memref_slice %arg2[%multiple_of3A] : memref<425984xi32, #tpu.memory_space<hbm>> -> memref<13312xi32, #tpu.memory_space<hbm>>
      tpu.enqueue_dma source(%dma_start3A_38 : memref<13312xi32, #tpu.memory_space<hbm>>) target(%arg5 : memref<13312xi32, #tpu.memory_space<vmem>>) target_semaphore(%run_scoped3A : memref<!tpu.dma_semaphore, #tpu.memory_space<semaphore_mem>>)
      %dma_wait3A = tpu.memref_slice %arg2[%multiple_of3A] : memref<425984xi32, #tpu.memory_space<hbm>> -> memref<13312xi32, #tpu.memory_space<hbm>>
      %dma_wait3A_39 = tpu.memref_slice %arg2[%multiple_of3A] : memref<425984xi32, #tpu.memory_space<hbm>> -> memref<13312xi32, #tpu.memory_space<hbm>>
      tpu.wait_dma2 semaphore(%run_scoped3A : memref<!tpu.dma_semaphore, #tpu.memory_space<semaphore_mem>>) src(%dma_wait3A_39 : memref<13312xi32, #tpu.memory_space<hbm>>) dst(%arg5 : memref<13312xi32, #tpu.memory_space<vmem>>)
      tpu.yield
    }) : () -> ()
    %scan3A = arith.constant 0 : i32
    %scan3A_3 = arith.constant 0 : i32
    %scan3A_4 = arith.constant 832 : i32
    %scan3A_5 = arith.addi %scan3A_3, %scan3A_4 : i32
    %scan3A_6 = arith.constant 1 : i32
    scf.for %scan3A_37 = %scan3A_3 to %scan3A_5 step %scan3A_6  : i32 {
      %iota3A = tpu.iota {dimensions = array<i32: 0>} : vector<16xi32>
      %mul3A_38 = arith.constant 16 : i32
      %mul3A_39 = arith.muli %scan3A_37, %mul3A_38 : i32
      %add3A_40 = arith.addi %multiple_of3A, %mul3A_39 : i32
      %add3A_41 = vector.broadcast %add3A_40 : i32 to vector<16xi32>
      %add3A_42 = arith.addi %iota3A, %add3A_41 : vector<16xi32>
      %jit3A = arith.constant 26 : i32
      %eq3A = arith.constant 0 : i32
      %eq3A_43 = arith.cmpi eq, %jit3A, %eq3A : i32
      %jit3A_44 = arith.constant 1 : i32
      %select_n3A = arith.select %eq3A_43, %jit3A_44, %jit3A : i32
      %rem3A = vector.broadcast %select_n3A : i32 to vector<16xi32>
      %rem3A_45 = arith.remsi %add3A_42, %rem3A : vector<16xi32>
      %ne3A = arith.constant 0 : i32
      %ne3A_46 = vector.broadcast %ne3A : i32 to vector<16xi32>
      %ne3A_47 = arith.cmpi ne, %rem3A_45, %ne3A_46 : vector<16xi32>
      %lt3A = arith.constant 0 : i32
      %lt3A_48 = vector.broadcast %lt3A : i32 to vector<16xi32>
      %lt3A_49 = arith.cmpi slt, %rem3A_45, %lt3A_48 : vector<16xi32>
      %lt3A_50 = arith.constant 0 : i32
      %lt3A_51 = arith.cmpi slt, %select_n3A, %lt3A_50 : i32
      %ne3A_52 = vector.broadcast %lt3A_51 : i1 to vector<16xi1>
      %ne3A_53 = vector.broadcast %ne3A_52 : vector<16xi1> to vector<16xi1>
      %ne3A_54 = arith.xori %lt3A_49, %ne3A_53 : vector<16xi1>
      %and3A = arith.andi %ne3A_54, %ne3A_47 : vector<16xi1>
      %add3A_55 = vector.broadcast %select_n3A : i32 to vector<16xi32>
      %add3A_56 = arith.addi %rem3A_45, %add3A_55 : vector<16xi32>
      %select_n3A_57 = arith.select %and3A, %add3A_56, %rem3A_45 : vector<16xi1>, vector<16xi32>
      %mul3A_58 = arith.constant 16 : i32
      %mul3A_59 = arith.muli %scan3A_37, %mul3A_58 : i32
      %get3A = arith.index_cast %mul3A_59 : i32 to index
      %get3A_60 = tpu.vector_load %arg5[%get3A] {strides = array<i32>} : memref<13312xi32, #tpu.memory_space<vmem>>, vector<16xi32>,
      %get3A_61 = vector.shape_cast %get3A_60 : vector<16xi32> to vector<16xi32>
      %add3A_62 = arith.constant 1 : i32
      %add3A_63 = vector.broadcast %add3A_62 : i32 to vector<16xi32>
      %add3A_64 = arith.addi %get3A_61, %add3A_63 : vector<16xi32>
      %mul3A_65 = arith.constant 100001 : i32
      %mul3A_66 = vector.broadcast %mul3A_65 : i32 to vector<16xi32>
      %mul3A_67 = arith.muli %select_n3A_57, %mul3A_66 : vector<16xi32>
      %add3A_68 = arith.addi %add3A_64, %mul3A_67 : vector<16xi32>
      %mul3A_69 = arith.constant 16 : i32
      %mul3A_70 = arith.muli %scan3A_37, %mul3A_69 : i32
      %swap3A = arith.index_cast %mul3A_70 : i32 to index
      %swap3A_71 = tpu.vector_load %arg6[%swap3A] {strides = array<i32>} : memref<13312xi32, #tpu.memory_space<vmem>>, vector<16xi32>,
      %swap3A_72 = vector.shape_cast %swap3A_71 : vector<16xi32> to vector<16xi32>
      %swap3A_73 = vector.shape_cast %add3A_68 : vector<16xi32> to vector<16xi32>
      tpu.vector_store %arg6[%swap3A], %swap3A_73 {strides = array<i32>} : memref<13312xi32, #tpu.memory_space<vmem>>, vector<16xi32>,
    }
    %scan3A_7 = arith.constant 832 : i32
    %multiple_of3A_8 = arith.constant 0 : i32
    %multiple_of3A_9 = tpu.assume_multiple %multiple_of3A_8, 128 : i32
    %dma_start3A = tpu.memref_slice %arg6[%multiple_of3A_9] : memref<13312xi32, #tpu.memory_space<vmem>> -> memref<128xi32, #tpu.memory_space<vmem>>
    %dma_start3A_10 = arith.constant 0 : i32
    %dma_start3A_11 = arith.constant 0 : i32
    %dma_start3A_12 = tpu.memref_slice %arg3[%dma_start3A_10, %dma_start3A_11] : memref<2600026x32xf32, #tpu.memory_space<hbm>> -> memref<2600026x32xf32, #tpu.memory_space<hbm>>
    tpu.enqueue_indirect_dma source(%dma_start3A_12 : memref<2600026x32xf32, #tpu.memory_space<hbm>>) target(%arg7 : memref<128x32xf32, #tpu.memory_space<vmem>>) offsets(%dma_start3A : memref<128xi32, #tpu.memory_space<vmem>>) semaphore(%arg11 : memref<!tpu.dma_semaphore, #tpu.memory_space<semaphore_mem>>)
    %multiple_of3A_13 = arith.constant 128 : i32
    %multiple_of3A_14 = tpu.assume_multiple %multiple_of3A_13, 128 : i32
    %dma_start3A_15 = tpu.memref_slice %arg6[%multiple_of3A_14] : memref<13312xi32, #tpu.memory_space<vmem>> -> memref<128xi32, #tpu.memory_space<vmem>>
    %dma_start3A_16 = arith.constant 0 : i32
    %dma_start3A_17 = arith.constant 0 : i32
    %dma_start3A_18 = tpu.memref_slice %arg3[%dma_start3A_16, %dma_start3A_17] : memref<2600026x32xf32, #tpu.memory_space<hbm>> -> memref<2600026x32xf32, #tpu.memory_space<hbm>>
    tpu.enqueue_indirect_dma source(%dma_start3A_18 : memref<2600026x32xf32, #tpu.memory_space<hbm>>) target(%arg8 : memref<128x32xf32, #tpu.memory_space<vmem>>) offsets(%dma_start3A_15 : memref<128xi32, #tpu.memory_space<vmem>>) semaphore(%arg12 : memref<!tpu.dma_semaphore, #tpu.memory_space<semaphore_mem>>)
    %multiple_of3A_19 = arith.constant 256 : i32
    %multiple_of3A_20 = tpu.assume_multiple %multiple_of3A_19, 128 : i32
    %dma_start3A_21 = tpu.memref_slice %arg6[%multiple_of3A_20] : memref<13312xi32, #tpu.memory_space<vmem>> -> memref<128xi32, #tpu.memory_space<vmem>>
    %dma_start3A_22 = arith.constant 0 : i32
    %dma_start3A_23 = arith.constant 0 : i32
    %dma_start3A_24 = tpu.memref_slice %arg3[%dma_start3A_22, %dma_start3A_23] : memref<2600026x32xf32, #tpu.memory_space<hbm>> -> memref<2600026x32xf32, #tpu.memory_space<hbm>>
    tpu.enqueue_indirect_dma source(%dma_start3A_24 : memref<2600026x32xf32, #tpu.memory_space<hbm>>) target(%arg9 : memref<128x32xf32, #tpu.memory_space<vmem>>) offsets(%dma_start3A_21 : memref<128xi32, #tpu.memory_space<vmem>>) semaphore(%arg13 : memref<!tpu.dma_semaphore, #tpu.memory_space<semaphore_mem>>)
    %multiple_of3A_25 = arith.constant 384 : i32
    %multiple_of3A_26 = tpu.assume_multiple %multiple_of3A_25, 128 : i32
    %dma_start3A_27 = tpu.memref_slice %arg6[%multiple_of3A_26] : memref<13312xi32, #tpu.memory_space<vmem>> -> memref<128xi32, #tpu.memory_space<vmem>>
    %dma_start3A_28 = arith.constant 0 : i32
    %dma_start3A_29 = arith.constant 0 : i32
    %dma_start3A_30 = tpu.memref_slice %arg3[%dma_start3A_28, %dma_start3A_29] : memref<2600026x32xf32, #tpu.memory_space<hbm>> -> memref<2600026x32xf32, #tpu.memory_space<hbm>>
    tpu.enqueue_indirect_dma source(%dma_start3A_30 : memref<2600026x32xf32, #tpu.memory_space<hbm>>) target(%arg10 : memref<128x32xf32, #tpu.memory_space<vmem>>) offsets(%dma_start3A_27 : memref<128xi32, #tpu.memory_space<vmem>>) semaphore(%arg14 : memref<!tpu.dma_semaphore, #tpu.memory_space<semaphore_mem>>)
    %scan3A_31 = arith.constant 0 : i32
    %scan3A_32 = arith.constant 0 : i32
    %scan3A_33 = arith.constant 26 : i32
    %scan3A_34 = arith.addi %scan3A_32, %scan3A_33 : i32
    %scan3A_35 = arith.constant 1 : i32
    scf.for %scan3A_37 = %scan3A_32 to %scan3A_34 step %scan3A_35  : i32 {
      %mul3A_38 = arith.constant 4 : i32
      %mul3A_39 = arith.muli %scan3A_37, %mul3A_38 : i32
      %add3A_40 = arith.constant 0 : i32
      %add3A_41 = arith.addi %mul3A_39, %add3A_40 : i32
      %dma_wait3A = arith.constant 0 : i32
      %dma_wait3A_42 = arith.constant 0 : i32
      %dma_wait3A_43 = tpu.memref_slice %arg3[%dma_wait3A, %dma_wait3A_42] : memref<2600026x32xf32, #tpu.memory_space<hbm>> -> memref<128x32xf32, #tpu.memory_space<hbm>>
      %dma_wait3A_44 = arith.constant 0 : i32
      %dma_wait3A_45 = arith.constant 0 : i32
      %dma_wait3A_46 = tpu.memref_slice %arg3[%dma_wait3A_44, %dma_wait3A_45] : memref<2600026x32xf32, #tpu.memory_space<hbm>> -> memref<128x32xf32, #tpu.memory_space<hbm>>
      tpu.wait_dma2 semaphore(%arg11 : memref<!tpu.dma_semaphore, #tpu.memory_space<semaphore_mem>>) src(%dma_wait3A_46 : memref<128x32xf32, #tpu.memory_space<hbm>>) dst(%arg7 : memref<128x32xf32, #tpu.memory_space<vmem>>)
      %mul3A_47 = arith.constant 128 : i32
      %mul3A_48 = arith.muli %add3A_41, %mul3A_47 : i32
      %add3A_49 = arith.addi %multiple_of3A, %mul3A_48 : i32
      %multiple_of3A_50 = tpu.assume_multiple %add3A_49, 128 : i32
      "tpu.region"() ({
        %run_scoped3A = tpu.sem_alloc : memref<!tpu.dma_semaphore, #tpu.memory_space<semaphore_mem>>
        %dma_start3A_118 = arith.constant 0 : i32
        %dma_start3A_119 = tpu.memref_slice %arg4[%multiple_of3A_50, %dma_start3A_118] : memref<425984x32xf32, #tpu.memory_space<hbm>> -> memref<128x32xf32, #tpu.memory_space<hbm>>
        %dma_start3A_120 = arith.constant 0 : i32
        %dma_start3A_121 = tpu.memref_slice %arg4[%multiple_of3A_50, %dma_start3A_120] : memref<425984x32xf32, #tpu.memory_space<hbm>> -> memref<128x32xf32, #tpu.memory_space<hbm>>
        tpu.enqueue_dma source(%arg7 : memref<128x32xf32, #tpu.memory_space<vmem>>) target(%dma_start3A_121 : memref<128x32xf32, #tpu.memory_space<hbm>>) target_semaphore(%run_scoped3A : memref<!tpu.dma_semaphore, #tpu.memory_space<semaphore_mem>>)
        %dma_wait3A_122 = arith.constant 0 : i32
        %dma_wait3A_123 = tpu.memref_slice %arg4[%multiple_of3A_50, %dma_wait3A_122] : memref<425984x32xf32, #tpu.memory_space<hbm>> -> memref<128x32xf32, #tpu.memory_space<hbm>>
        %dma_wait3A_124 = arith.constant 0 : i32
        %dma_wait3A_125 = tpu.memref_slice %arg4[%multiple_of3A_50, %dma_wait3A_124] : memref<425984x32xf32, #tpu.memory_space<hbm>> -> memref<128x32xf32, #tpu.memory_space<hbm>>
        tpu.wait_dma2 semaphore(%run_scoped3A : memref<!tpu.dma_semaphore, #tpu.memory_space<semaphore_mem>>) src(%arg7 : memref<128x32xf32, #tpu.memory_space<vmem>>) dst(%dma_wait3A_125 : memref<128x32xf32, #tpu.memory_space<hbm>>)
        tpu.yield
      }) : () -> ()
      %add3A_51 = arith.constant 4 : i32
      %add3A_52 = arith.addi %add3A_41, %add3A_51 : i32
      %lt3A = arith.constant 104 : i32
      %lt3A_53 = arith.cmpi slt, %add3A_52, %lt3A : i32
      %convert_element_type3A = arith.extui %lt3A_53 : i1 to i32
      %cond3A = arith.constant 0 : i32
      %cond3A_54 = arith.cmpi ne, %convert_element_type3A, %cond3A : i32
      scf.if %cond3A_54 {
        %mul3A_118 = arith.constant 128 : i32
        %mul3A_119 = arith.muli %add3A_52, %mul3A_118 : i32
        %multiple_of3A_120 = tpu.assume_multiple %mul3A_119, 128 : i32
        %dma_start3A_121 = tpu.memref_slice %arg6[%multiple_of3A_120] : memref<13312xi32, #tpu.memory_space<vmem>> -> memref<128xi32, #tpu.memory_space<vmem>>
        %dma_start3A_122 = arith.constant 0 : i32
        %dma_start3A_123 = arith.constant 0 : i32
        %dma_start3A_124 = tpu.memref_slice %arg3[%dma_start3A_122, %dma_start3A_123] : memref<2600026x32xf32, #tpu.memory_space<hbm>> -> memref<2600026x32xf32, #tpu.memory_space<hbm>>
        tpu.enqueue_indirect_dma source(%dma_start3A_124 : memref<2600026x32xf32, #tpu.memory_space<hbm>>) target(%arg7 : memref<128x32xf32, #tpu.memory_space<vmem>>) offsets(%dma_start3A_121 : memref<128xi32, #tpu.memory_space<vmem>>) semaphore(%arg11 : memref<!tpu.dma_semaphore, #tpu.memory_space<semaphore_mem>>)
      } else {
      }
      %mul3A_55 = arith.constant 4 : i32
      %mul3A_56 = arith.muli %scan3A_37, %mul3A_55 : i32
      %add3A_57 = arith.constant 1 : i32
      %add3A_58 = arith.addi %mul3A_56, %add3A_57 : i32
      %dma_wait3A_59 = arith.constant 0 : i32
      %dma_wait3A_60 = arith.constant 0 : i32
      %dma_wait3A_61 = tpu.memref_slice %arg3[%dma_wait3A_59, %dma_wait3A_60] : memref<2600026x32xf32, #tpu.memory_space<hbm>> -> memref<128x32xf32, #tpu.memory_space<hbm>>
      %dma_wait3A_62 = arith.constant 0 : i32
      %dma_wait3A_63 = arith.constant 0 : i32
      %dma_wait3A_64 = tpu.memref_slice %arg3[%dma_wait3A_62, %dma_wait3A_63] : memref<2600026x32xf32, #tpu.memory_space<hbm>> -> memref<128x32xf32, #tpu.memory_space<hbm>>
      tpu.wait_dma2 semaphore(%arg12 : memref<!tpu.dma_semaphore, #tpu.memory_space<semaphore_mem>>) src(%dma_wait3A_64 : memref<128x32xf32, #tpu.memory_space<hbm>>) dst(%arg8 : memref<128x32xf32, #tpu.memory_space<vmem>>)
      %mul3A_65 = arith.constant 128 : i32
      %mul3A_66 = arith.muli %add3A_58, %mul3A_65 : i32
      %add3A_67 = arith.addi %multiple_of3A, %mul3A_66 : i32
      %multiple_of3A_68 = tpu.assume_multiple %add3A_67, 128 : i32
      "tpu.region"() ({
        %run_scoped3A = tpu.sem_alloc : memref<!tpu.dma_semaphore, #tpu.memory_space<semaphore_mem>>
        %dma_start3A_118 = arith.constant 0 : i32
        %dma_start3A_119 = tpu.memref_slice %arg4[%multiple_of3A_68, %dma_start3A_118] : memref<425984x32xf32, #tpu.memory_space<hbm>> -> memref<128x32xf32, #tpu.memory_space<hbm>>
        %dma_start3A_120 = arith.constant 0 : i32
        %dma_start3A_121 = tpu.memref_slice %arg4[%multiple_of3A_68, %dma_start3A_120] : memref<425984x32xf32, #tpu.memory_space<hbm>> -> memref<128x32xf32, #tpu.memory_space<hbm>>
        tpu.enqueue_dma source(%arg8 : memref<128x32xf32, #tpu.memory_space<vmem>>) target(%dma_start3A_121 : memref<128x32xf32, #tpu.memory_space<hbm>>) target_semaphore(%run_scoped3A : memref<!tpu.dma_semaphore, #tpu.memory_space<semaphore_mem>>)
        %dma_wait3A_122 = arith.constant 0 : i32
        %dma_wait3A_123 = tpu.memref_slice %arg4[%multiple_of3A_68, %dma_wait3A_122] : memref<425984x32xf32, #tpu.memory_space<hbm>> -> memref<128x32xf32, #tpu.memory_space<hbm>>
        %dma_wait3A_124 = arith.constant 0 : i32
        %dma_wait3A_125 = tpu.memref_slice %arg4[%multiple_of3A_68, %dma_wait3A_124] : memref<425984x32xf32, #tpu.memory_space<hbm>> -> memref<128x32xf32, #tpu.memory_space<hbm>>
        tpu.wait_dma2 semaphore(%run_scoped3A : memref<!tpu.dma_semaphore, #tpu.memory_space<semaphore_mem>>) src(%arg8 : memref<128x32xf32, #tpu.memory_space<vmem>>) dst(%dma_wait3A_125 : memref<128x32xf32, #tpu.memory_space<hbm>>)
        tpu.yield
      }) : () -> ()
      %add3A_69 = arith.constant 4 : i32
      %add3A_70 = arith.addi %add3A_58, %add3A_69 : i32
      %lt3A_71 = arith.constant 104 : i32
      %lt3A_72 = arith.cmpi slt, %add3A_70, %lt3A_71 : i32
      %convert_element_type3A_73 = arith.extui %lt3A_72 : i1 to i32
      %cond3A_74 = arith.constant 0 : i32
      %cond3A_75 = arith.cmpi ne, %convert_element_type3A_73, %cond3A_74 : i32
      scf.if %cond3A_75 {
        %mul3A_118 = arith.constant 128 : i32
        %mul3A_119 = arith.muli %add3A_70, %mul3A_118 : i32
        %multiple_of3A_120 = tpu.assume_multiple %mul3A_119, 128 : i32
        %dma_start3A_121 = tpu.memref_slice %arg6[%multiple_of3A_120] : memref<13312xi32, #tpu.memory_space<vmem>> -> memref<128xi32, #tpu.memory_space<vmem>>
        %dma_start3A_122 = arith.constant 0 : i32
        %dma_start3A_123 = arith.constant 0 : i32
        %dma_start3A_124 = tpu.memref_slice %arg3[%dma_start3A_122, %dma_start3A_123] : memref<2600026x32xf32, #tpu.memory_space<hbm>> -> memref<2600026x32xf32, #tpu.memory_space<hbm>>
        tpu.enqueue_indirect_dma source(%dma_start3A_124 : memref<2600026x32xf32, #tpu.memory_space<hbm>>) target(%arg8 : memref<128x32xf32, #tpu.memory_space<vmem>>) offsets(%dma_start3A_121 : memref<128xi32, #tpu.memory_space<vmem>>) semaphore(%arg12 : memref<!tpu.dma_semaphore, #tpu.memory_space<semaphore_mem>>)
      } else {
      }
      %mul3A_76 = arith.constant 4 : i32
      %mul3A_77 = arith.muli %scan3A_37, %mul3A_76 : i32
      %add3A_78 = arith.constant 2 : i32
      %add3A_79 = arith.addi %mul3A_77, %add3A_78 : i32
      %dma_wait3A_80 = arith.constant 0 : i32
      %dma_wait3A_81 = arith.constant 0 : i32
      %dma_wait3A_82 = tpu.memref_slice %arg3[%dma_wait3A_80, %dma_wait3A_81] : memref<2600026x32xf32, #tpu.memory_space<hbm>> -> memref<128x32xf32, #tpu.memory_space<hbm>>
      %dma_wait3A_83 = arith.constant 0 : i32
      %dma_wait3A_84 = arith.constant 0 : i32
      %dma_wait3A_85 = tpu.memref_slice %arg3[%dma_wait3A_83, %dma_wait3A_84] : memref<2600026x32xf32, #tpu.memory_space<hbm>> -> memref<128x32xf32, #tpu.memory_space<hbm>>
      tpu.wait_dma2 semaphore(%arg13 : memref<!tpu.dma_semaphore, #tpu.memory_space<semaphore_mem>>) src(%dma_wait3A_85 : memref<128x32xf32, #tpu.memory_space<hbm>>) dst(%arg9 : memref<128x32xf32, #tpu.memory_space<vmem>>)
      %mul3A_86 = arith.constant 128 : i32
      %mul3A_87 = arith.muli %add3A_79, %mul3A_86 : i32
      %add3A_88 = arith.addi %multiple_of3A, %mul3A_87 : i32
      %multiple_of3A_89 = tpu.assume_multiple %add3A_88, 128 : i32
      "tpu.region"() ({
        %run_scoped3A = tpu.sem_alloc : memref<!tpu.dma_semaphore, #tpu.memory_space<semaphore_mem>>
        %dma_start3A_118 = arith.constant 0 : i32
        %dma_start3A_119 = tpu.memref_slice %arg4[%multiple_of3A_89, %dma_start3A_118] : memref<425984x32xf32, #tpu.memory_space<hbm>> -> memref<128x32xf32, #tpu.memory_space<hbm>>
        %dma_start3A_120 = arith.constant 0 : i32
        %dma_start3A_121 = tpu.memref_slice %arg4[%multiple_of3A_89, %dma_start3A_120] : memref<425984x32xf32, #tpu.memory_space<hbm>> -> memref<128x32xf32, #tpu.memory_space<hbm>>
        tpu.enqueue_dma source(%arg9 : memref<128x32xf32, #tpu.memory_space<vmem>>) target(%dma_start3A_121 : memref<128x32xf32, #tpu.memory_space<hbm>>) target_semaphore(%run_scoped3A : memref<!tpu.dma_semaphore, #tpu.memory_space<semaphore_mem>>)
        %dma_wait3A_122 = arith.constant 0 : i32
        %dma_wait3A_123 = tpu.memref_slice %arg4[%multiple_of3A_89, %dma_wait3A_122] : memref<425984x32xf32, #tpu.memory_space<hbm>> -> memref<128x32xf32, #tpu.memory_space<hbm>>
        %dma_wait3A_124 = arith.constant 0 : i32
        %dma_wait3A_125 = tpu.memref_slice %arg4[%multiple_of3A_89, %dma_wait3A_124] : memref<425984x32xf32, #tpu.memory_space<hbm>> -> memref<128x32xf32, #tpu.memory_space<hbm>>
        tpu.wait_dma2 semaphore(%run_scoped3A : memref<!tpu.dma_semaphore, #tpu.memory_space<semaphore_mem>>) src(%arg9 : memref<128x32xf32, #tpu.memory_space<vmem>>) dst(%dma_wait3A_125 : memref<128x32xf32, #tpu.memory_space<hbm>>)
        tpu.yield
      }) : () -> ()
      %add3A_90 = arith.constant 4 : i32
      %add3A_91 = arith.addi %add3A_79, %add3A_90 : i32
      %lt3A_92 = arith.constant 104 : i32
      %lt3A_93 = arith.cmpi slt, %add3A_91, %lt3A_92 : i32
      %convert_element_type3A_94 = arith.extui %lt3A_93 : i1 to i32
      %cond3A_95 = arith.constant 0 : i32
      %cond3A_96 = arith.cmpi ne, %convert_element_type3A_94, %cond3A_95 : i32
      scf.if %cond3A_96 {
        %mul3A_118 = arith.constant 128 : i32
        %mul3A_119 = arith.muli %add3A_91, %mul3A_118 : i32
        %multiple_of3A_120 = tpu.assume_multiple %mul3A_119, 128 : i32
        %dma_start3A_121 = tpu.memref_slice %arg6[%multiple_of3A_120] : memref<13312xi32, #tpu.memory_space<vmem>> -> memref<128xi32, #tpu.memory_space<vmem>>
        %dma_start3A_122 = arith.constant 0 : i32
        %dma_start3A_123 = arith.constant 0 : i32
        %dma_start3A_124 = tpu.memref_slice %arg3[%dma_start3A_122, %dma_start3A_123] : memref<2600026x32xf32, #tpu.memory_space<hbm>> -> memref<2600026x32xf32, #tpu.memory_space<hbm>>
        tpu.enqueue_indirect_dma source(%dma_start3A_124 : memref<2600026x32xf32, #tpu.memory_space<hbm>>) target(%arg9 : memref<128x32xf32, #tpu.memory_space<vmem>>) offsets(%dma_start3A_121 : memref<128xi32, #tpu.memory_space<vmem>>) semaphore(%arg13 : memref<!tpu.dma_semaphore, #tpu.memory_space<semaphore_mem>>)
      } else {
      }
      %mul3A_97 = arith.constant 4 : i32
      %mul3A_98 = arith.muli %scan3A_37, %mul3A_97 : i32
      %add3A_99 = arith.constant 3 : i32
      %add3A_100 = arith.addi %mul3A_98, %add3A_99 : i32
      %dma_wait3A_101 = arith.constant 0 : i32
      %dma_wait3A_102 = arith.constant 0 : i32
      %dma_wait3A_103 = tpu.memref_slice %arg3[%dma_wait3A_101, %dma_wait3A_102] : memref<2600026x32xf32, #tpu.memory_space<hbm>> -> memref<128x32xf32, #tpu.memory_space<hbm>>
      %dma_wait3A_104 = arith.constant 0 : i32
      %dma_wait3A_105 = arith.constant 0 : i32
      %dma_wait3A_106 = tpu.memref_slice %arg3[%dma_wait3A_104, %dma_wait3A_105] : memref<2600026x32xf32, #tpu.memory_space<hbm>> -> memref<128x32xf32, #tpu.memory_space<hbm>>
      tpu.wait_dma2 semaphore(%arg14 : memref<!tpu.dma_semaphore, #tpu.memory_space<semaphore_mem>>) src(%dma_wait3A_106 : memref<128x32xf32, #tpu.memory_space<hbm>>) dst(%arg10 : memref<128x32xf32, #tpu.memory_space<vmem>>)
      %mul3A_107 = arith.constant 128 : i32
      %mul3A_108 = arith.muli %add3A_100, %mul3A_107 : i32
      %add3A_109 = arith.addi %multiple_of3A, %mul3A_108 : i32
      %multiple_of3A_110 = tpu.assume_multiple %add3A_109, 128 : i32
      "tpu.region"() ({
        %run_scoped3A = tpu.sem_alloc : memref<!tpu.dma_semaphore, #tpu.memory_space<semaphore_mem>>
        %dma_start3A_118 = arith.constant 0 : i32
        %dma_start3A_119 = tpu.memref_slice %arg4[%multiple_of3A_110, %dma_start3A_118] : memref<425984x32xf32, #tpu.memory_space<hbm>> -> memref<128x32xf32, #tpu.memory_space<hbm>>
        %dma_start3A_120 = arith.constant 0 : i32
        %dma_start3A_121 = tpu.memref_slice %arg4[%multiple_of3A_110, %dma_start3A_120] : memref<425984x32xf32, #tpu.memory_space<hbm>> -> memref<128x32xf32, #tpu.memory_space<hbm>>
        tpu.enqueue_dma source(%arg10 : memref<128x32xf32, #tpu.memory_space<vmem>>) target(%dma_start3A_121 : memref<128x32xf32, #tpu.memory_space<hbm>>) target_semaphore(%run_scoped3A : memref<!tpu.dma_semaphore, #tpu.memory_space<semaphore_mem>>)
        %dma_wait3A_122 = arith.constant 0 : i32
        %dma_wait3A_123 = tpu.memref_slice %arg4[%multiple_of3A_110, %dma_wait3A_122] : memref<425984x32xf32, #tpu.memory_space<hbm>> -> memref<128x32xf32, #tpu.memory_space<hbm>>
        %dma_wait3A_124 = arith.constant 0 : i32
        %dma_wait3A_125 = tpu.memref_slice %arg4[%multiple_of3A_110, %dma_wait3A_124] : memref<425984x32xf32, #tpu.memory_space<hbm>> -> memref<128x32xf32, #tpu.memory_space<hbm>>
        tpu.wait_dma2 semaphore(%run_scoped3A : memref<!tpu.dma_semaphore, #tpu.memory_space<semaphore_mem>>) src(%arg10 : memref<128x32xf32, #tpu.memory_space<vmem>>) dst(%dma_wait3A_125 : memref<128x32xf32, #tpu.memory_space<hbm>>)
        tpu.yield
      }) : () -> ()
      %add3A_111 = arith.constant 4 : i32
      %add3A_112 = arith.addi %add3A_100, %add3A_111 : i32
      %lt3A_113 = arith.constant 104 : i32
      %lt3A_114 = arith.cmpi slt, %add3A_112, %lt3A_113 : i32
      %convert_element_type3A_115 = arith.extui %lt3A_114 : i1 to i32
      %cond3A_116 = arith.constant 0 : i32
      %cond3A_117 = arith.cmpi ne, %convert_element_type3A_115, %cond3A_116 : i32
      scf.if %cond3A_117 {
        %mul3A_118 = arith.constant 128 : i32
        %mul3A_119 = arith.muli %add3A_112, %mul3A_118 : i32
        %multiple_of3A_120 = tpu.assume_multiple %mul3A_119, 128 : i32
        %dma_start3A_121 = tpu.memref_slice %arg6[%multiple_of3A_120] : memref<13312xi32, #tpu.memory_space<vmem>> -> memref<128xi32, #tpu.memory_space<vmem>>
        %dma_start3A_122 = arith.constant 0 : i32
        %dma_start3A_123 = arith.constant 0 : i32
        %dma_start3A_124 = tpu.memref_slice %arg3[%dma_start3A_122, %dma_start3A_123] : memref<2600026x32xf32, #tpu.memory_space<hbm>> -> memref<2600026x32xf32, #tpu.memory_space<hbm>>
        tpu.enqueue_indirect_dma source(%dma_start3A_124 : memref<2600026x32xf32, #tpu.memory_space<hbm>>) target(%arg10 : memref<128x32xf32, #tpu.memory_space<vmem>>) offsets(%dma_start3A_121 : memref<128xi32, #tpu.memory_space<vmem>>) semaphore(%arg14 : memref<!tpu.dma_semaphore, #tpu.memory_space<semaphore_mem>>)
      } else {
      }
    }
    %scan3A_36 = arith.constant 26 : i32
    return
  }
}

module attributes {stable_mosaic.version = 14 : i64} {
  func.func @_maxabs_body(%arg0: i32, %arg1: i32, %arg2: memref<1x2048x32xf32, #tpu.memory_space<vmem>>, %arg3: memref<1x8x128xf32, #tpu.memory_space<vmem>>) attributes {dimension_semantics = [#tpu.dimension_semantics<arbitrary>, #tpu.dimension_semantics<arbitrary>], iteration_bounds = array<i64: 26, 49>, scalar_prefetch = 0 : i64, scratch_operands = 0 : i64, tpu.core_type = #tpu.core_type<tc>, window_params = [{transform_indices = @transform_0, window_bounds = array<i64: 1, 2048, 32>}, {transform_indices = @transform_1, window_bounds = array<i64: 1, 8, 128>}]} {
    %eq3A = arith.constant 0 : i32
    %eq3A_0 = arith.cmpi eq, %arg1, %eq3A : i32
    %convert_element_type3A = arith.extui %eq3A_0 : i1 to i32
    %cond3A = arith.constant 0 : i32
    %cond3A_1 = arith.cmpi ne, %convert_element_type3A, %cond3A : i32
    scf.if %cond3A_1 {
      %broadcast_in_dim3A_22 = arith.constant 0.000000e+00 : f32
      %broadcast_in_dim3A_23 = vector.broadcast %broadcast_in_dim3A_22 : f32 to vector<1x8x128xf32>
      %swap3A_24 = arith.constant 0 : index
      %swap3A_25 = arith.constant 0 : index
      %swap3A_26 = arith.constant 0 : index
      %swap3A_27 = vector.load %arg3[%swap3A_24, %swap3A_25, %swap3A_26] : memref<1x8x128xf32, #tpu.memory_space<vmem>>, vector<1x8x128xf32>
      tpu.vector_store %arg3[%swap3A_24, %swap3A_25, %swap3A_26], %broadcast_in_dim3A_23 {strides = array<i32>} : memref<1x8x128xf32, #tpu.memory_space<vmem>>, vector<1x8x128xf32>,
    } else {
    }
    %get3A = arith.constant 0 : index
    %get3A_2 = arith.constant 0 : index
    %get3A_3 = arith.constant 0 : index
    %get3A_4 = vector.load %arg2[%get3A, %get3A_2, %get3A_3] : memref<1x2048x32xf32, #tpu.memory_space<vmem>>, vector<1x2048x32xf32>
    %get3A_5 = vector.shape_cast %get3A_4 : vector<1x2048x32xf32> to vector<2048x32xf32>
    %mul3A = arith.constant 2048 : i32
    %mul3A_6 = arith.muli %arg1, %mul3A : i32
    %iota3A = tpu.iota {dimensions = array<i32: 0>} : vector<2048x32xi32>
    %add3A = vector.broadcast %mul3A_6 : i32 to vector<2048x32xi32>
    %add3A_7 = arith.addi %add3A, %iota3A : vector<2048x32xi32>
    %lt3A = arith.constant 100001 : i32
    %lt3A_8 = vector.broadcast %lt3A : i32 to vector<2048x32xi32>
    %lt3A_9 = arith.cmpi slt, %add3A_7, %lt3A_8 : vector<2048x32xi32>
    %abs3A = math.absf %get3A_5 : vector<2048x32xf32>
    %jit3A = arith.constant 0.000000e+00 : f32
    %broadcast_in_dim3A = vector.broadcast %jit3A : f32 to vector<2048x32xf32>
    %select_n3A = arith.select %lt3A_9, %abs3A, %broadcast_in_dim3A : vector<2048x32xi1>, vector<2048x32xf32>
    %reduce_max3A = vector.shape_cast %select_n3A : vector<2048x32xf32> to vector<1x2048x32xf32>
    %reduce_max3A_10 = arith.constant dense<0xFF800000> : vector<1xf32>
    %reduce_max3A_11 = vector.multi_reduction <maximumf>, %reduce_max3A, %reduce_max3A_10 [1, 2] : vector<1x2048x32xf32> to vector<1xf32>
    %reduce_max3A_12 = vector.shape_cast %reduce_max3A_11 : vector<1xf32> to vector<1x1x1xf32>
    %reduce_max3A_13 = vector.extract %reduce_max3A_12[0, 0, 0] : f32 from vector<1x1x1xf32>
    %get3A_14 = arith.constant 0 : index
    %get3A_15 = arith.constant 0 : index
    %get3A_16 = arith.constant 0 : index
    %get3A_17 = vector.load %arg3[%get3A_14, %get3A_15, %get3A_16] : memref<1x8x128xf32, #tpu.memory_space<vmem>>, vector<1x8x128xf32>
    %max3A = vector.broadcast %reduce_max3A_13 : f32 to vector<1x8x128xf32>
    %max3A_18 = arith.maximumf %get3A_17, %max3A : vector<1x8x128xf32>
    %swap3A = arith.constant 0 : index
    %swap3A_19 = arith.constant 0 : index
    %swap3A_20 = arith.constant 0 : index
    %swap3A_21 = vector.load %arg3[%swap3A, %swap3A_19, %swap3A_20] : memref<1x8x128xf32, #tpu.memory_space<vmem>>, vector<1x8x128xf32>
    tpu.vector_store %arg3[%swap3A, %swap3A_19, %swap3A_20], %max3A_18 {strides = array<i32>} : memref<1x8x128xf32, #tpu.memory_space<vmem>>, vector<1x8x128xf32>,
    return
  }
  func.func @transform_0(%arg0: i32, %arg1: i32) -> (i32, i32, i32) {
    %c0_i32 = arith.constant 0 : i32
    %c0_i32_0 = arith.constant 0 : i32
    return %arg0, %arg1, %c0_i32 : i32, i32, i32
  }
  func.func @transform_1(%arg0: i32, %arg1: i32) -> (i32, i32, i32) {
    %c0_i32 = arith.constant 0 : i32
    %c0_i32_0 = arith.constant 0 : i32
    %c0_i32_1 = arith.constant 0 : i32
    return %arg0, %c0_i32, %c0_i32_0 : i32, i32, i32
  }
}

module attributes {stable_mosaic.version = 14 : i64} {
  func.func @_tanh_body(%arg0: i32, %arg1: memref<512x832xf32, #tpu.memory_space<vmem>>, %arg2: memref<1x832xf32, #tpu.memory_space<vmem>>, %arg3: memref<512x832xf32, #tpu.memory_space<vmem>>) attributes {dimension_semantics = [#tpu.dimension_semantics<arbitrary>], iteration_bounds = array<i64: 32>, scalar_prefetch = 0 : i64, scratch_operands = 0 : i64, tpu.core_type = #tpu.core_type<tc>, window_params = [{transform_indices = @transform_0, window_bounds = array<i64: 512, 832>}, {pipeline_mode = #tpu.pipeline_mode<synchronous>, transform_indices = @transform_1, window_bounds = array<i64: 1, 832>}, {transform_indices = @transform_2, window_bounds = array<i64: 512, 832>}]} {
    %get3A = arith.constant 0 : index
    %get3A_0 = arith.constant 0 : index
    %get3A_1 = vector.load %arg1[%get3A, %get3A_0] : memref<512x832xf32, #tpu.memory_space<vmem>>, vector<512x832xf32>
    %mul3A = arith.constant 2.000000e-01 : f32
    %mul3A_2 = vector.broadcast %mul3A : f32 to vector<512x832xf32>
    %mul3A_3 = arith.mulf %mul3A_2, %get3A_1 : vector<512x832xf32>
    %get3A_4 = arith.constant 0 : index
    %get3A_5 = arith.constant 0 : index
    %get3A_6 = vector.load %arg2[%get3A_4, %get3A_5] : memref<1x832xf32, #tpu.memory_space<vmem>>, vector<1x832xf32>
    %div3A = vector.broadcast %get3A_6 : vector<1x832xf32> to vector<512x832xf32>
    %div3A_7 = arith.divf %mul3A_3, %div3A : vector<512x832xf32>
    %tanh3A = math.tanh %div3A_7 : vector<512x832xf32>
    %swap3A = arith.constant 0 : index
    %swap3A_8 = arith.constant 0 : index
    %swap3A_9 = vector.load %arg3[%swap3A, %swap3A_8] : memref<512x832xf32, #tpu.memory_space<vmem>>, vector<512x832xf32>
    tpu.vector_store %arg3[%swap3A, %swap3A_8], %tanh3A {strides = array<i32>} : memref<512x832xf32, #tpu.memory_space<vmem>>, vector<512x832xf32>,
    return
  }
  func.func @transform_0(%arg0: i32) -> (i32, i32) {
    %c0_i32 = arith.constant 0 : i32
    %c0_i32_0 = arith.constant 0 : i32
    return %arg0, %c0_i32 : i32, i32
  }
  func.func @transform_1(%arg0: i32) -> (i32, i32) {
    %c0_i32 = arith.constant 0 : i32
    %c0_i32_0 = arith.constant 0 : i32
    %c0_i32_1 = arith.constant 0 : i32
    return %c0_i32, %c0_i32_0 : i32, i32
  }
  func.func @transform_2(%arg0: i32) -> (i32, i32) {
    %c0_i32 = arith.constant 0 : i32
    %c0_i32_0 = arith.constant 0 : i32
    return %arg0, %c0_i32 : i32, i32
  }
}

</mosaic_0001>

<sc_bundles>
// kernel: sc_embed_gather.3.cloned.1.call-start
scs
__scs_entry_jumppad:
0x0: {  	(pc) =	sbr.rel $0x88, $3  }
0x1: {  	(tag) =	ssettag $0x0;
	lr =	simm.s32 $0x1  }
0x2: {  	[smem:$0x3F9F] =	sst lr;
	_ =	strace $0xD0000000  }
0x3: {  	_ = 	snop  }
0x4: {  	_ = 	snop  }
0x5: {  	_ = 	snop  }
0x6: {  	_ = 	snop  }
0x7: {  	_ = 	snop  }
__scs_overlays_trampoline_lowered:
0x8: {  	[smem:$0x3FAE] =	sst s0  }
0x9: {  	[smem:$0x3FAF] =	sst s1  }
0xa: {  	[smem:$0x3FB0] =	sst s2  }
0xb: {  	[smem:$0x3FB1] =	sst s3  }
0xc: {  	[smem:$0x3FB2] =	sst s4  }
0xd: {  	[smem:$0x3FB3] =	sst s5  }
0xe: {  	[smem:$0x3FB4] =	sst s6  }
0xf: {  	[smem:$0x3FB5] =	sst s7  }
0x10: {  	[smem:$0x3FB6] =	sst s8  }
0x11: {  	[smem:$0x3FB7] =	sst s9;
	s0 =	simm.s32 @!p0 $0x0  }
0x12: {  	s1 =	sld [smem:$0x3F9D];
	s0 =	simm.s32 @p0 $0x1  }
0x13: {  	[smem:$0x3FB8] =	sst s0;
	s0 =	simm.s32 @!p1 $0x0  }
0x14: {  	s2 =	sld [smem:$0x3F9C];
	s0 =	simm.s32 @p1 $0x1  }
0x15: {  	[smem:$0x3FB9] =	sst s0;
	s0 =	simm.s32 @!p2 $0x0  }
0x16: {  	s3 =	sld [smem:$0x3FDB];
	s0 =	simm.s32 @p2 $0x1  }
0x17: {  	s4 =	simm.s32 $0x1BF5;
	[smem:$0x3FBB] =	sst s0  }
0x18: {  	s0 =	sld [smem:$0x3F9E];
	_ =	swait.ge [sflag:s4], $0x0  }
0x19: {  	s7 =	sld [smem:$0x3F9F]  }
0x1a: {  	s8 =	sadd.s32 $0xFFFFE003, lr  }
0x1b: {  	s9 =	sadd.s32 $0xFFFFFEF7, lr;
	s5 =	simm.s32 $0xFFFFFFFF;
	p2 =	slt.u32 s8, $0xFFFFF086  }
0x1c: {  	p1 =	slt.u32 s9, $0xF7A;
	s5 =	simm.s32 @!p2 $0x0  }
0x1d: {  	s5 =	simm.s32 @p1 $0x1;
	p0 =	seq.s32 s7, s2  }
0x1e: {  	s7 =	smul.u32 @!p0 $0xF7A, s2;
	p2 =	seq.s32 @!p0 s5, $0x0  }
0x1f: {  	s9 =	smul.u32 $0xF7A, s1;
	s8 =	simm.s32 @!p0 $0x1BF5;
	p2 =	por !p2, p0  }
0x20: {  	[sflag:s8] =	ssyncset.s32 @!p0 $0xFFFFF086;
	s6 =	sadd.s32 @!p0 s3, s7;
	s7 =	simm.s32 @!p0 $0x108  }
0x21: {  	s3 =	sadd.s32 s3, s9;
	s6 =	sadd.s32 @!p0 $0x88, s6;
	s7 =	simm.s32 @p2 $0x1082  }
0x22: {  	[simem:s7], [sflag:s8] =	dma.local @!p0 [hbm:s6], $0xF7A  }
0x23: {  	s9 =	sor.u32 $0xD0000000, s2;
	s6 =	simm.s32 $0x108;
	_ =	swait.ge @!p0 [sflag:s8], $0x0  }
0x24: {  	s3 =	sadd.s32 $0x88, s3;
	s6 =	simm.s32 @!p1 $0x1082;
	[sflag:s4] =	ssyncset.s32 $0xFFFFF086  }
0x25: {  	[simem:s6], [sflag:s4] =	dma.local [hbm:s3], $0xF7A  }
0x26: {  	[smem:$0x3F9F] =	sst s1;
	(tag) =	ssettag s2;
	_ =	strace s9  }
0x27: {  	s1 =	sld [smem:$0x3FAF]  }
0x28: {  	s2 =	sld [smem:$0x3FB0]  }
0x29: {  	s4 =	sld [smem:$0x3FB2]  }
0x2a: {  	p0 =	seq.s32 s5, $0x0;
	s5 =	sld [smem:$0x3FB3]  }
0x2b: {  	s6 =	sld [smem:$0x3FB4]  }
0x2c: {  	s7 =	sld [smem:$0x3FB5]  }
0x2d: {  	s3 =	simm.s32 $0x108;
	s8 =	sld [smem:$0x3FB6]  }
0x2e: {  	s3 =	simm.s32 @!p0 $0x1082;
	s9 =	sld [smem:$0x3FB7]  }
0x2f: {  	lr =	sadd.s32 s0, s3;
	s0 =	sld [smem:$0x3FAE]  }
0x30: {  	s3 =	sld [smem:$0x3FB1]  }
0x31: {  	[smem:$0x3FBA] =	sst s10  }
0x32: {  	s10 =	sld [smem:$0x3FB8];
	_ =	sdelay $0x3  }
0x33: {  	p0 =	seq.s32 s10, $0x1;
	s10 =	sld [smem:$0x3FBA];
	_ =	sdelay $0x3  }
0x34: {  	[smem:$0x3FBA] =	sst s10  }
0x35: {  	s10 =	sld [smem:$0x3FB9];
	_ =	sdelay $0x3  }
0x36: {  	p1 =	seq.s32 s10, $0x1;
	s10 =	sld [smem:$0x3FBA];
	_ =	sdelay $0x3  }
0x37: {  	[smem:$0x3FBA] =	sst s10  }
0x38: {  	s10 =	sld [smem:$0x3FBB]  }
0x39: {  	_ = 	snop;
	(pc) =	sbr.ind lr, $3  }
0x3a: {  	_ = 	snop  }
0x3b: {  	_ = 	snop  }
0x3c: {  	p2 =	seq.s32 s10, $0x1;
	s10 =	sld [smem:$0x3FBA]  }
0x3d: {  	_ =	shalt  }
0x3e: {  	_ =	shalt  }
0x3f: {  	_ =	shalt  }
0x40: {  	_ =	shalt  }
0x41: {  	_ =	shalt  }
0x42: {  	_ =	shalt  }
0x43: {  	_ =	shalt  }
0x44: {  	_ =	shalt  }
0x45: {  	_ =	shalt  }
0x46: {  	_ =	shalt  }
0x47: {  	_ =	shalt  }
0x48: {  	_ =	shalt  }
0x49: {  	_ =	shalt  }
0x4a: {  	_ =	shalt  }
0x4b: {  	_ =	shalt  }
0x4c: {  	_ =	shalt  }
0x4d: {  	_ =	shalt  }
0x4e: {  	_ =	shalt  }
0x4f: {  	_ =	shalt  }
0x50: {  	_ =	shalt  }
0x51: {  	_ =	shalt  }
0x52: {  	_ =	shalt  }
0x53: {  	_ =	shalt  }
0x54: {  	_ =	shalt  }
0x55: {  	_ =	shalt  }
0x56: {  	_ =	shalt  }
0x57: {  	_ =	shalt  }
0x58: {  	_ =	shalt  }
0x59: {  	_ =	shalt  }
0x5a: {  	_ =	shalt  }
0x5b: {  	_ =	shalt  }
0x5c: {  	_ =	shalt  }
0x5d: {  	_ =	shalt  }
0x5e: {  	_ =	shalt  }
0x5f: {  	_ =	shalt  }
0x60: {  	_ =	shalt  }
0x61: {  	_ =	shalt  }
0x62: {  	_ =	shalt  }
0x63: {  	_ =	shalt  }
0x64: {  	_ =	shalt  }
0x65: {  	_ =	shalt  }
0x66: {  	_ =	shalt  }
0x67: {  	_ =	shalt  }
0x68: {  	_ =	shalt  }
0x69: {  	_ =	shalt  }
0x6a: {  	_ =	shalt  }
0x6b: {  	_ =	shalt  }
0x6c: {  	_ =	shalt  }
0x6d: {  	_ =	shalt  }
0x6e: {  	_ =	shalt  }
0x6f: {  	_ =	shalt  }
0x70: {  	_ =	shalt  }
0x71: {  	_ =	shalt  }
0x72: {  	_ =	shalt  }
0x73: {  	_ =	shalt  }
0x74: {  	_ =	shalt  }
0x75: {  	_ =	shalt  }
0x76: {  	_ =	shalt  }
0x77: {  	_ =	shalt  }
0x78: {  	_ =	shalt  }
0x79: {  	_ =	shalt  }
0x7a: {  	_ =	shalt  }
0x7b: {  	_ =	shalt  }
0x7c: {  	_ =	shalt  }
0x7d: {  	_ =	shalt  }
0x7e: {  	_ =	shalt  }
0x7f: {  	_ =	shalt  }
0x80: {  	_ =	shalt  }
0x81: {  	_ =	shalt  }
0x82: {  	_ =	shalt  }
0x83: {  	_ =	shalt  }
0x84: {  	_ =	shalt  }
0x85: {  	_ =	shalt  }
0x86: {  	_ =	shalt  }
0x87: {  	_ =	shalt  }
.Lfunc_end0:
.L_simem_size_0:
called_computation.1_lowered:
.L_overlay_start_0:
0x88: {  	s2 =	sld [smem:$0x3FD9]  }
0x89: {  	s3 =	sld [smem:$0x3FFE];
	_ =	sdelay $0x1  }
0x8a: {  	s1 =	srdreg.scid  }
0x8b: {  	s0 =	sand.u32 $0x1, s1  }
0x8c: {  	s17 =	sshll.u32 s0, $0xA;
	s2 =	sadd.s32 s3, s2  }
0x8d: {  	s2 =	sadd.s32 s2, s17  }
0x8e: {  	[smem:$0x3FC6] =	sst s2  }
0x8f: {  	_ = 	snop  }
0x90: {  	s2 =	sld [smem:$0x3FD0];
	(tm) =	ssettm $0x1  }
0x91: {  	s18 =	sld [smem:$0x3FFB];
	_ =	sdelay $0x3  }
0x92: {  	_ =	strace s18  }
0x93: {  	s3 =	sld [smem:$0x3FFC];
	_ =	sdelay $0x3  }
0x94: {  	_ =	strace s3  }
0x95: {  	s3 =	sld [smem:$0x3FFD];
	_ =	sdelay $0x3  }
0x96: {  	_ =	strace s3  }
0x97: {  	_ =	strace $0x8FFFFFFF  }
0x98: {  	s19 =	sld [smem:$0x3FDB];
	_ =	sdelay $0x1  }
0x99: {  	s4 =	simm.s32 $_scs_section_size  }
0x9a: {  	s5 =	simm.s32 $_size__tile_overlayer_lowered;
	s6 =	simm.s32 $_tile_overlayer_lowered  }
0x9b: {  	s22 =	simm.s32 $0x1BFF;
	s21 =	sshll.u32 s6, $0x1;
	s3 =	sadd.s32 s4, s19  }
0x9c: {  	s7 =	simm.s32 $0x0;
	s20 =	sshll.u32 s5, $0x1;
	s5 =	sadd.s32 s21, s3  }
0x9d: {  	[timem:s7], [sflag:s22] =	dma.local [hbm:s5], s20  }
0x9e: {  	_ =	swait.ge [sflag:s22], s20  }
0x9f: {  	s4 =	ssub.s32 $0x0, s20;
	[sflag:s22] =	ssyncset.done $0x0  }
0xa0: {  	[sflag:s22] =	ssyncadd.s32 s4;
	_ =	sdelay $0x1  }
0xa1: {  	s23 =	simm.s32 $0x1B8B  }
0xa2: {  	_ =	swait.ge [sflag:s23], $0x1  }
0xa3: {  	[sflag:s23] =	ssyncset.done $0x0  }
0xa4: {  	s25 =	simm.s32 $0x1B8E;
	s24 =	sld [smem:$0x3FFE];
	[sflag:s23] =	ssyncadd.s32 $0xFFFFFFFF  }
0xa5: {  	s26 =	simm.s32 $execute0_lowered;
	[smem:$0x3FD2] =	sst s25  }
0xa6: {  	s5 =	sshll.u32 s26, $0x1;
	_ =	strace $0x80000049;
	[dreg:$0x1] =	wrdreg $0xFFFFFFFF  }
0xa7: {  	s28 =	simm.s32 $_size_execute0_lowered;
	s3 =	sadd.s32 s3, s5;
	[dreg:$0x0] =	wrdreg $0x0  }
0xa8: {  	s5 =	sshll.u32 s28, $0x1;
	[dreg:$0x2] =	wrdreg s3  }
0xa9: {  	[dreg:$0x3] =	wrdreg s5  }
0xaa: {  	[dreg:$0x4] =	wrdreg $0xC0  }
0xab: {  	_ =	task [dreg:s7], $0x5FFFF  }
0xac: {  	[dreg:$0x1] =	wrdreg $0xFFFFFFFF  }
0xad: {  	[dreg:$0x0] =	wrdreg $0x60  }
0xae: {  	[dreg:$0x2] =	wrdreg s24  }
0xaf: {  	[dreg:$0x3] =	wrdreg s2  }
0xb0: {  	[dreg:$0x4] =	wrdreg $0x9  }
0xb1: {  	_ =	task.clear_ibuf [dreg:s7], $0x5FFFF;
	_ =	strace $0x90000049  }
0xb2: {  	s29 =	simm.s32 $0x9;
	_ =	strace $0x8000004B  }
0xb3: {  	_ =	swait.ge [sflag:s29], $0x1  }
0xb4: {  	[sflag:s29] =	ssyncadd.s32 $0xFFFFFFFF  }
0xb5: {  	_ =	strace $0x9000004B  }
0xb6: {  	_ =	sfence  }
0xb7: {  	s30 =	sld [smem:$0x0];
	_ =	sdelay $0x2  }
0xb8: {  	s31 =	sshll.u32 s1, $0xD;
	s1 =	sshrl.u32 s1, $0x2  }
0xb9: {  	s3 =	sand.u32 $0x4000, s31;
	s1 =	sadd.s32 s1, s30  }
0xba: {  	s0 =	sor.u32 s3, s0;
	s1 =	sshll.u32 s1, $0x11  }
0xbb: {  	s0 =	sor.u32 s1, s0  }
0xbc: {  	s0 =	sadd.s32 $0x8F2B, s0  }
0xbd: {  	[sflag:s0] =	ssyncadd.remote.s32 $0x1  }
0xbe: {  	_ =	sfence.sel $0xFFFF  }
0xbf: {  	[dreg:$0x0] =	wrdreg $0xFFFFFFFF;
	(pc) =	sbr.abs _section_cstart, $3  }
0xc0: {  	[dreg:$0x1] =	wrdreg $0xFFFFFFFF  }
0xc1: {  	_ =	task.clear_ibuf [dreg:s7], $0x2FFFF;
	_ =	strace $0x9FFFFFFF  }
0xc2: {  	(tm) =	ssettm $0x7FFFFFFF  }
0xc3: {  	_ =	shalt  }
tec
execute0_lowered:
.L_overlay_start_1:
0x0: {  	(tag) =	ssettag $0x1  }
0x1: {  	s0 =	srdreg.scid;
	s1 =	rddreg [dreg:$0x0]  }
0x2: {  	s10 =	stileid.u32;
	s12 =	rddreg [dreg:$0x1]  }
0x3: {  	s15 =	simm.s32 $0x5;
	s16 =	simm.s32 $0x80;
	s18 =	simm.s32 $0x6800  }
0x4: {  	s19 =	simm.s32 $0x3480;
	s20 =	simm.s32 $0x7800;
	s8 =	smul.u32 $0x6800, s10  }
0x5: {  	s0 =	sand.u32 $0x1, s0;
	s2 =	sshll.u32 s10, $0x1;
	s10 =	smul.u32 $0xD0000, s10  }
0x6: {  	s21 =	simm.s32 $0x3500;
	s22 =	simm.s32 $0x8800;
	s9 =	smul.u32 $0x3400, s0  }
0x7: {  	s3 =	sor.u32 s0, s2;
	s6 =	ssub.s32 $0x2, s0;
	s0 =	smul.u32 $0x68000, s0  }
0x8: {  	s23 =	simm.s32 $0x3580;
	s28 =	simm.s32 $0x3;
	s4 =	smul.u32 $0x3400, s3  }
0x9: {  	s29 =	simm.s32 $0x4;
	s2 =	simm.s32 $0x0;
	s5 =	smul.u32 $0x68000, s3  }
0xa: {  	s30 =	simm.s32 $0x0;
	[smem:$0x7FF] =	sst s2;
	s7 =	smul.u32 $0xD000, s3  }
0xb: {  	s3 =	sadd.s32 $0xF400, s1;
	s24 =	sshrl.u32 s6, $0x1;
	_ =	strace $0x8000004A  }
0xc: {  	s8 =	sadd.s32 s9, s8;
	s0 =	sadd.s32 s0, s10;
	s4 =	sshrl.u32 s4, $0x3  }
0xd: {  	s5 =	sshrl.u32 s5, $0x3;
	s26 =	sadd.s32 s12, s7;
	s0 =	sshrl.u32 s0, $0x3  }
0xe: {  	s13 =	sshll.u32 s8, $0x2;
	s4 =	sadd.s32 s4, s1;
	s1 =	ssub.s32 s6, s24  }
0xf: {  	s25 =	sadd.s32 s12, s5;
	s7 =	sadd.s32 $0xCA00, s26;
	s9 =	sadd.s32 $0xCC00, s26  }
0x10: {  	s10 =	sadd.s32 $0xCE00, s26;
	s11 =	sadd.s32 s0, s12;
	s31 =	sadd.s32 s13, s12  }
0x11: {  	s24 =	simm.s32 $0x9800;
	s26 =	simm.s32 $0x2;
	s4 =	sadd.s32 $0x2400, s4  }
0x12: {  	s5 =	smax.u32 s1, $0x1;
	s6 =	sadd.s32 $0xC800, s25;
	s12 =	sadd.s32 $0x600, s31  }
0x13: {  	v0 =	vlaneseq.u32;
	s13 =	sadd.s32 $0x400, s31;
	s14 =	sadd.s32 $0x200, s31;
	s25 =	simm.s32 $0x1  }
.LBB2_1:
0x14: {  	[tilespmem:s2], [sflag:$0x5] =	stream.linear.gather [hbm4b:s4+s2], $0x3400, $0x38;
	v1 =	vor.u32 s8, v0;
	[tilespmem:$0xA800] =	vst v63  }
0x15: {  	_ =	swait.ge [sflag:s15], $0x3400;
	v2 =	vmulhi.u32 $0x4EC4EC4F, v1  }
0x16: {  	[sflag:s15] =	ssyncset.done $0x0  }
0x17: {  	s1 =	simm.s32 $0x0;
	[sflag:s15] =	ssyncadd.s32 $0xFFFFCC00;
	v2 =	vshrl.u32 v2, $0x3  }
0x18: {  	v3 =	vmul.u32 $0x1A, v2;
	v2 =	vld [tilespmem:s1+$0x0]  }
0x19: {  	s31 =	simm.s32 $0x40;
	s0 =	sadd.s32 $0x10, s8  }
.LBB2_2:
0x1a: {  	p0 =	sne.s32 s31, $0xCFC0;
	v3 =	vsub.s32 v1, v3;
	v1 =	vor.u32 s0, v0;
	s17 =	smov.u32 s31;
	s31 =	sadd.s32 $0x40, s31  }
.Ltmp0:
0x1b: {  	v4 =	vmulhi.u32 $0x4EC4EC4F, v1;
	v3 =	vmul.u32 $0x186A1, v3;
	(pc) =	sbr.rel @p0 .LBB2_2-.Ltmp0, $4  }
0x1c: {  	_ = 	snop  }
0x1d: {  	s17 =	sshra.s32 s17, $0x2;
	v4 =	vshrl.u32 v4, $0x3;
	v5 =	vadd.s32 v2, v3  }
0x1e: {  	v3 =	vmul.u32 $0x1A, v4;
	v2 =	vld [tilespmem:s17+$0x0];
	v4 =	vadd.s32 $0x1, v5  }
0x1f: {  	s0 =	sadd.s32 $0x10, s0;
	[tilespmem:s1+$0x3400] =	vst v4;
	s1 =	smov.u32 s17  }
0x20: {  	v1 =	vsub.s32 v1, v3  }
0x21: {  	v1 =	vmul.u32 $0x186A1, v1;
	_ =	sdelay $0x1  }
0x22: {  	v1 =	vadd.s32 v2, v1  }
0x23: {  	v1 =	vadd.s32 $0x1, v1  }
0x24: {  	s0 =	simm.s32 $0x3400;
	[tilespmem:s1+$0x3400] =	vst v1  }
0x25: {  	[tilespmem:s18], [sflag:$0x1] =	stream.indirect.gather [hbm4b:s3+s16], $0x20, s0, s16, $0xb8;
	[tilespmem:$0xA800] =	vst v63  }
0x26: {  	_ = 	snop  }
0x27: {  	[tilespmem:s20], [sflag:$0x2] =	stream.indirect.gather [hbm4b:s3+s16], $0x20, s19, s16, $0xb8;
	[tilespmem:$0xA800] =	vst v63  }
0x28: {  	_ = 	snop  }
0x29: {  	[tilespmem:s22], [sflag:$0x3] =	stream.indirect.gather [hbm4b:s3+s16], $0x20, s21, s16, $0xb8;
	[tilespmem:$0xA800] =	vst v63  }
0x2a: {  	_ = 	snop  }
0x2b: {  	[tilespmem:s24], [sflag:$0x4] =	stream.indirect.gather [hbm4b:s3+s16], $0x20, s23, s16, $0xb8;
	[tilespmem:$0xA800] =	vst v63  }
0x2c: {  	_ =	swait.ge [sflag:s25], $0x1000  }
0x2d: {  	[sflag:s25] =	ssyncset.done $0x0  }
0x2e: {  	s17 =	sadd.s32 $0x0, s11;
	[sflag:s25] =	ssyncadd.s32 $0xFFFFF000  }
0x2f: {  	[hbm4b:s17+s2] =	stream.linear.scatter [tilespmem:s18], [sflag:$0x5], $0x1000, $0x38;
	[tilespmem:$0xA800] =	vst v63  }
0x30: {  	_ =	swait.ge [sflag:s15], $0x1000  }
0x31: {  	[sflag:s15] =	ssyncset.done $0x0  }
0x32: {  	s1 =	simm.s32 $0x3600;
	[sflag:s15] =	ssyncadd.s32 $0xFFFFF000  }
0x33: {  	[tilespmem:s18], [sflag:$0x1] =	stream.indirect.gather [hbm4b:s3+s16], $0x20, s1, s16, $0xb8;
	[tilespmem:$0xA800] =	vst v63  }
0x34: {  	_ =	swait.ge [sflag:s26], $0x1000  }
0x35: {  	[sflag:s26] =	ssyncset.done $0x0  }
0x36: {  	s17 =	sadd.s32 $0x0, s14;
	[sflag:s26] =	ssyncadd.s32 $0xFFFFF000  }
0x37: {  	[hbm4b:s17+s2] =	stream.linear.scatter [tilespmem:s20], [sflag:$0x5], $0x1000, $0x38;
	[tilespmem:$0xA800] =	vst v63  }
0x38: {  	_ =	swait.ge [sflag:s15], $0x1000  }
0x39: {  	[sflag:s15] =	ssyncset.done $0x0  }
0x3a: {  	s1 =	simm.s32 $0x3680;
	[sflag:s15] =	ssyncadd.s32 $0xFFFFF000  }
0x3b: {  	[tilespmem:s20], [sflag:$0x2] =	stream.indirect.gather [hbm4b:s3+s16], $0x20, s1, s16, $0xb8;
	[tilespmem:$0xA800] =	vst v63  }
0x3c: {  	_ =	swait.ge [sflag:s28], $0x1000  }
0x3d: {  	[sflag:s28] =	ssyncset.done $0x0  }
0x3e: {  	s17 =	sadd.s32 $0x0, s13;
	[sflag:s28] =	ssyncadd.s32 $0xFFFFF000  }
0x3f: {  	[hbm4b:s17+s2] =	stream.linear.scatter [tilespmem:s22], [sflag:$0x5], $0x1000, $0x38;
	[tilespmem:$0xA800] =	vst v63  }
0x40: {  	_ =	swait.ge [sflag:s15], $0x1000  }
0x41: {  	[sflag:s15] =	ssyncset.done $0x0  }
0x42: {  	s1 =	simm.s32 $0x3700;
	[sflag:s15] =	ssyncadd.s32 $0xFFFFF000  }
0x43: {  	[tilespmem:s22], [sflag:$0x3] =	stream.indirect.gather [hbm4b:s3+s16], $0x20, s1, s16, $0xb8;
	[tilespmem:$0xA800] =	vst v63  }
0x44: {  	_ =	swait.ge [sflag:s29], $0x1000  }
0x45: {  	[sflag:s29] =	ssyncset.done $0x0  }
0x46: {  	s17 =	sadd.s32 $0x0, s12;
	[sflag:s29] =	ssyncadd.s32 $0xFFFFF000  }
0x47: {  	[hbm4b:s17+s2] =	stream.linear.scatter [tilespmem:s24], [sflag:$0x5], $0x1000, $0x38;
	[tilespmem:$0xA800] =	vst v63  }
0x48: {  	_ =	swait.ge [sflag:s15], $0x1000  }
0x49: {  	[sflag:s15] =	ssyncset.done $0x0  }
0x4a: {  	s31 =	simm.s32 $0x800;
	s0 =	simm.s32 $0x3780;
	[sflag:s15] =	ssyncadd.s32 $0xFFFFF000  }
.LBB2_4:
0x4b: {  	[tilespmem:s24], [sflag:$0x4] =	stream.indirect.gather [hbm4b:s3+s16], $0x20, s0, s16, $0xb8;
	[tilespmem:$0xA800] =	vst v63  }
0x4c: {  	s1 =	smov.u32 s31  }
0x4d: {  	p0 =	sne.s32 s31, $0xC000;
	s31 =	sadd.s32 $0x800, s31;
	_ =	swait.ge [sflag:s25], $0x1000  }
0x4e: {  	[sflag:s25] =	ssyncset.done $0x0  }
0x4f: {  	s0 =	sadd.s32 s1, s11;
	[sflag:s25] =	ssyncadd.s32 $0xFFFFF000  }
0x50: {  	[hbm4b:s0+s2] =	stream.linear.scatter [tilespmem:s18], [sflag:$0x5], $0x1000, $0x38;
	[tilespmem:$0xA800] =	vst v63  }
0x51: {  	_ =	swait.ge [sflag:s15], $0x1000  }
0x52: {  	s0 =	sshra.s32 s1, $0x2;
	[sflag:s15] =	ssyncset.done $0x0  }
0x53: {  	s17 =	sadd.s32 $0x3600, s0;
	[sflag:s15] =	ssyncadd.s32 $0xFFFFF000  }
0x54: {  	[tilespmem:s18], [sflag:$0x1] =	stream.indirect.gather [hbm4b:s3+s16], $0x20, s17, s16, $0xb8;
	[tilespmem:$0xA800] =	vst v63  }
0x55: {  	_ =	swait.ge [sflag:s26], $0x1000  }
0x56: {  	[sflag:s26] =	ssyncset.done $0x0  }
0x57: {  	s17 =	sadd.s32 s1, s14;
	[sflag:s26] =	ssyncadd.s32 $0xFFFFF000  }
0x58: {  	[hbm4b:s17+s2] =	stream.linear.scatter [tilespmem:s20], [sflag:$0x5], $0x1000, $0x38;
	[tilespmem:$0xA800] =	vst v63  }
0x59: {  	_ =	swait.ge [sflag:s15], $0x1000  }
0x5a: {  	[sflag:s15] =	ssyncset.done $0x0  }
0x5b: {  	s17 =	sadd.s32 $0x3680, s0;
	[sflag:s15] =	ssyncadd.s32 $0xFFFFF000  }
0x5c: {  	[tilespmem:s20], [sflag:$0x2] =	stream.indirect.gather [hbm4b:s3+s16], $0x20, s17, s16, $0xb8;
	[tilespmem:$0xA800] =	vst v63  }
0x5d: {  	_ =	swait.ge [sflag:s28], $0x1000  }
0x5e: {  	[sflag:s28] =	ssyncset.done $0x0  }
0x5f: {  	s17 =	sadd.s32 s1, s13;
	[sflag:s28] =	ssyncadd.s32 $0xFFFFF000  }
0x60: {  	[hbm4b:s17+s2] =	stream.linear.scatter [tilespmem:s22], [sflag:$0x5], $0x1000, $0x38;
	[tilespmem:$0xA800] =	vst v63  }
0x61: {  	_ =	swait.ge [sflag:s15], $0x1000  }
0x62: {  	[sflag:s15] =	ssyncset.done $0x0  }
0x63: {  	s17 =	sadd.s32 $0x3700, s0;
	[sflag:s15] =	ssyncadd.s32 $0xFFFFF000  }
0x64: {  	[tilespmem:s22], [sflag:$0x3] =	stream.indirect.gather [hbm4b:s3+s16], $0x20, s17, s16, $0xb8;
	[tilespmem:$0xA800] =	vst v63  }
0x65: {  	_ =	swait.ge [sflag:s29], $0x1000  }
0x66: {  	[sflag:s29] =	ssyncset.done $0x0  }
.Ltmp1:
0x67: {  	s1 =	sadd.s32 s1, s12;
	[sflag:s29] =	ssyncadd.s32 $0xFFFFF000;
	(pc) =	sbr.rel @p0 .LBB2_4-.Ltmp1, $4  }
0x68: {  	[hbm4b:s1+s2] =	stream.linear.scatter [tilespmem:s24], [sflag:$0x5], $0x1000, $0x38;
	[tilespmem:$0xA800] =	vst v63  }
0x69: {  	_ =	swait.ge [sflag:s15], $0x1000  }
0x6a: {  	[sflag:s15] =	ssyncset.done $0x0  }
0x6b: {  	s0 =	sadd.s32 $0x3780, s0;
	[sflag:s15] =	ssyncadd.s32 $0xFFFFF000  }
0x6c: {  	[tilespmem:s24], [sflag:$0x4] =	stream.indirect.gather [hbm4b:s3+s16], $0x20, s0, s16, $0xb8;
	[tilespmem:$0xA800] =	vst v63  }
0x6d: {  	_ =	swait.ge [sflag:s25], $0x1000  }
0x6e: {  	[sflag:s25] =	ssyncset.done $0x0  }
0x6f: {  	[sflag:s25] =	ssyncadd.s32 $0xFFFFF000  }
0x70: {  	[hbm4b:s6+s2] =	stream.linear.scatter [tilespmem:s18], [sflag:$0x5], $0x1000, $0x38;
	[tilespmem:$0xA800] =	vst v63  }
0x71: {  	_ =	swait.ge [sflag:s15], $0x1000  }
0x72: {  	[sflag:s15] =	ssyncset.done $0x0  }
0x73: {  	[sflag:s15] =	ssyncadd.s32 $0xFFFFF000  }
0x74: {  	_ =	swait.ge [sflag:s26], $0x1000  }
0x75: {  	[sflag:s26] =	ssyncset.done $0x0  }
0x76: {  	[sflag:s26] =	ssyncadd.s32 $0xFFFFF000  }
0x77: {  	[hbm4b:s7+s2] =	stream.linear.scatter [tilespmem:s20], [sflag:$0x5], $0x1000, $0x38;
	[tilespmem:$0xA800] =	vst v63  }
0x78: {  	_ =	swait.ge [sflag:s15], $0x1000  }
0x79: {  	[sflag:s15] =	ssyncset.done $0x0  }
0x7a: {  	[sflag:s15] =	ssyncadd.s32 $0xFFFFF000  }
0x7b: {  	_ =	swait.ge [sflag:s28], $0x1000  }
0x7c: {  	[sflag:s28] =	ssyncset.done $0x0  }
0x7d: {  	[sflag:s28] =	ssyncadd.s32 $0xFFFFF000  }
0x7e: {  	[hbm4b:s9+s2] =	stream.linear.scatter [tilespmem:s22], [sflag:$0x5], $0x1000, $0x38;
	[tilespmem:$0xA800] =	vst v63  }
0x7f: {  	_ =	swait.ge [sflag:s15], $0x1000  }
0x80: {  	[sflag:s15] =	ssyncset.done $0x0  }
0x81: {  	[sflag:s15] =	ssyncadd.s32 $0xFFFFF000  }
0x82: {  	s30 =	sadd.s32 $0x1, s30;
	_ =	swait.ge [sflag:s29], $0x1000  }
0x83: {  	p0 =	sne.s32 s30, s5;
	[sflag:s29] =	ssyncset.done $0x0  }
.Ltmp2:
0x84: {  	[sflag:s29] =	ssyncadd.s32 $0xFFFFF000;
	(pc) =	sbr.rel @p0 .LBB2_1-.Ltmp2, $4  }
0x85: {  	[hbm4b:s10+s2] =	stream.linear.scatter [tilespmem:s24], [sflag:$0x5], $0x1000, $0x38;
	[tilespmem:$0xA800] =	vst v63  }
0x86: {  	_ =	swait.ge [sflag:s15], $0x1000  }
0x87: {  	[sflag:s15] =	ssyncset.done $0x0  }
0x88: {  	[sflag:s15] =	ssyncadd.s32 $0xFFFFF000  }
0x89: {  	_ =	sfence.sel $0x180000  }
0x8a: {  	[bflag:$0x0] =	sbarrier.arrive $0xFFFF  }
0x8b: {  	_ =	strace $0x9000004A  }
0x8c: {  	s0 =	stileid.u32;
	[bflag:$0x2] =	sbarrier.arrive $0xFFFF  }
0x8d: {  	p0 =	sne.s32 s0, $0x0;
	s0 =	rddreg [dreg:$0x2]  }
0x8e: {  	s0 =	sadd.s32 @!p0 $0x100000, s0  }
0x8f: {  	[sflag:s0] =	ssyncadd.tile.s32 @!p0 $0x1;
	_ =	shalt  }
.Lfunc_end2:
_tile_overlayer_lowered:
.L_overlay_start_2:
0x90: {  	(tag) =	ssettag $0x2  }
0x91: {  	s0 =	rddreg [dreg:$0x0];
	s2 =	stileid.u32  }
0x92: {  	s1 =	rddreg [dreg:$0x1];
	p0 =	sne.s32 s2, $0x0  }
0x93: {  	s3 =	rddreg [dreg:$0x2];
	[bflag:$0x3] =	sbarrier.arrive $0xFFFF;
	s2 =	simm.s32 @!p0 $0x1C05  }
0x94: {  	[timem:s3], [sflag:s2] =	dma.local @!p0 [hbm:s0], s1  }
0x95: {  	s0 =	simm.s32 @!p0 $0x5  }
0x96: {  	_ =	swait.ge @!p0 [sflag:s0], s1  }
0x97: {  	s1 =	ssub.s32 @!p0 $0x0, s1;
	[sflag:s0] =	ssyncset.done @!p0 $0x0  }
0x98: {  	[sflag:s0] =	ssyncadd.s32 @!p0 s1  }
0x99: {  	[bflag:$0x3] =	sbarrier.arrive $0xFFFF  }
0x9a: {  	_ =	shalt  }

// kernel: sparse-core-data-format-call.cloned.1.call-start
scs
called_computation_lowered:
.L_overlay_start_0:
0x0: {  	s1 =	sld [smem:$0x3FD9]  }
0x1: {  	s2 =	sld [smem:$0x3FFE];
	_ =	sdelay $0x1  }
0x2: {  	s3 =	srdreg.scid  }
0x3: {  	s0 =	sand.u32 $0x1, s3  }
0x4: {  	s17 =	sshll.u32 s0, $0xA;
	s1 =	sadd.s32 s2, s1  }
0x5: {  	s1 =	sadd.s32 s1, s17  }
0x6: {  	[smem:$0x3FC6] =	sst s1  }
0x7: {  	_ = 	snop  }
0x8: {  	(tm) =	ssettm $0x1  }
0x9: {  	s18 =	sld [smem:$0x3FFB];
	_ =	sdelay $0x3  }
0xa: {  	_ =	strace s18  }
0xb: {  	s1 =	sld [smem:$0x3FFC];
	_ =	sdelay $0x3  }
0xc: {  	_ =	strace s1  }
0xd: {  	s1 =	sld [smem:$0x3FFD];
	_ =	sdelay $0x3  }
0xe: {  	_ =	strace s1  }
0xf: {  	_ =	strace $0x8FFFFFFF  }
0x10: {  	s19 =	sld [smem:$0x3FDB];
	_ =	sdelay $0x1  }
0x11: {  	s20 =	simm.s32 $_scs_section_size  }
0x12: {  	s4 =	simm.s32 $_size__tile_overlayer_lowered;
	s5 =	simm.s32 $_tile_overlayer_lowered  }
0x13: {  	s23 =	simm.s32 $0x1BFF;
	s22 =	sshll.u32 s5, $0x1;
	s1 =	sadd.s32 s20, s19  }
0x14: {  	s6 =	simm.s32 $0x0;
	s21 =	sshll.u32 s4, $0x1;
	s4 =	sadd.s32 s22, s1  }
0x15: {  	[timem:s6], [sflag:s23] =	dma.local [hbm:s4], s21  }
0x16: {  	_ =	swait.ge [sflag:s23], s21  }
0x17: {  	s2 =	ssub.s32 $0x0, s21;
	[sflag:s23] =	ssyncset.done $0x0  }
0x18: {  	[sflag:s23] =	ssyncadd.s32 s2;
	_ =	sdelay $0x1  }
0x19: {  	s24 =	simm.s32 $0x1B8B  }
0x1a: {  	_ =	swait.ge [sflag:s24], $0x1  }
0x1b: {  	[sflag:s24] =	ssyncset.done $0x0  }
0x1c: {  	s26 =	simm.s32 $0x1B8E;
	s25 =	sld [smem:$0x3FFE];
	[sflag:s24] =	ssyncadd.s32 $0xFFFFFFFF  }
0x1d: {  	s27 =	simm.s32 $execute0_lowered;
	[smem:$0x3FD2] =	sst s26  }
0x1e: {  	s4 =	sshll.u32 s27, $0x1;
	_ =	strace $0x80000046;
	[dreg:$0x1] =	wrdreg $0xFFFFFFFF  }
0x1f: {  	s28 =	simm.s32 $_size_execute0_lowered;
	s1 =	sadd.s32 s1, s4;
	[dreg:$0x0] =	wrdreg $0x0  }
0x20: {  	s4 =	sshll.u32 s28, $0x1;
	[dreg:$0x2] =	wrdreg s1  }
0x21: {  	[dreg:$0x3] =	wrdreg s4  }
0x22: {  	[dreg:$0x4] =	wrdreg $0xC0  }
0x23: {  	_ =	task [dreg:s6], $0x5FFFF  }
0x24: {  	[dreg:$0x1] =	wrdreg $0xFFFFFFFF  }
0x25: {  	[dreg:$0x0] =	wrdreg $0x60  }
0x26: {  	[dreg:$0x2] =	wrdreg s25  }
0x27: {  	[dreg:$0x3] =	wrdreg $0x9  }
0x28: {  	_ =	task.clear_ibuf [dreg:s6], $0x4FFFF;
	_ =	strace $0x90000046  }
0x29: {  	s29 =	simm.s32 $0x9;
	_ =	strace $0x80000048  }
0x2a: {  	_ =	swait.ge [sflag:s29], $0x1  }
0x2b: {  	[sflag:s29] =	ssyncadd.s32 $0xFFFFFFFF  }
0x2c: {  	_ =	strace $0x90000048  }
0x2d: {  	_ =	sfence  }
0x2e: {  	s30 =	sld [smem:$0x0];
	_ =	sdelay $0x2  }
0x2f: {  	s31 =	sshll.u32 s3, $0xD;
	s3 =	sshrl.u32 s3, $0x2  }
0x30: {  	s2 =	sand.u32 $0x4000, s31;
	s1 =	sadd.s32 s3, s30  }
0x31: {  	s0 =	sor.u32 s2, s0;
	s1 =	sshll.u32 s1, $0x11  }
0x32: {  	s0 =	sor.u32 s1, s0  }
0x33: {  	s0 =	sadd.s32 $0x8F2B, s0  }
0x34: {  	[sflag:s0] =	ssyncadd.remote.s32 $0x1  }
0x35: {  	_ =	sfence.sel $0xFFFF  }
0x36: {  	[dreg:$0x0] =	wrdreg $0xFFFFFFFF;
	(pc) =	sbr.abs _section_cstart, $3  }
0x37: {  	[dreg:$0x1] =	wrdreg $0xFFFFFFFF  }
0x38: {  	_ =	task.clear_ibuf [dreg:s6], $0x2FFFF;
	_ =	strace $0x9FFFFFFF  }
0x39: {  	(tm) =	ssettm $0x7FFFFFFF  }
tec
execute0_lowered:
.L_overlay_start_1:
0x0: {  	(tag) =	ssettag $0x1  }
0x1: {  	s0 =	srdreg.scid  }
0x2: {  	s5 =	rddreg [dreg:$0x0];
	s1 =	stileid.u32;
	s4 =	simm.s32 $0x1  }
0x3: {  	s6 =	simm.s32 $0x2;
	s15 =	simm.s32 $0x0;
	p0 =	por $0x0, $0x0  }
0x4: {  	s8 =	simm.s32 $0x80;
	s14 =	simm.s32 $0x0;
	s2 =	sshll.u32 s0, $0x4  }
0x5: {  	s9 =	simm.s32 $0x0;
	s10 =	simm.s32 $0x0;
	s2 =	sand.u32 $0x10, s2  }
.Ltmp0:
0x6: {  	s12 =	simm.s32 $0x0;
	s3 =	sor.u32 s1, s2;
	(pc) =	sbr.rel .LBB1_1-.Ltmp0, $4  }
0x7: {  	s0 =	rddreg [dreg:$0x1];
	_ =	strace $0x80000047;
	s3 =	sshll.u32 s3, $0x7  }
0x8: {  	s13 =	simm.s32 $0x0;
	[sflag:s4] =	ssyncpa.u1 $0x0;
	s7 =	ssub.s32 $0x27AC00, s3  }
0x9: {  	s2 =	sadd.s32 $0x1827E00, s5;
	[sflag:s6] =	ssyncpa.u1 $0x0;
	s6 =	sshrl.u32 s7, $0xC  }
0xa: {  	s5 =	sadd.s32 $0x2213000, s5;
	s11 =	smov.u32 s3;
	s7 =	sadd.s32 $0x2, s6  }
.LBB1_5:
0xb: {  	p1 =	slt.u32 s13, $0x2  }
0xc: {  	s17 =	smov.u32 s15;
	p2 =	sgt.s32 @!p1 s15, $0x27ABE0;
	s16 =	sshra.s32 @!p1 s15, $0x1F  }
0xd: {  	p3 =	sgt.s32 @!p1 s14, $0x60;
	s18 =	sshra.s32 @!p1 s14, $0x1F;
	p2 =	por !p2, p1  }
0xe: {  	s15 =	sand.u32 @!p1 s16, s15;
	p3 =	por !p3, p1;
	s16 =	smov.u32 s14  }
0xf: {  	s14 =	sand.u32 @!p1 s18, s14;
	s17 =	simm.s32 @p2 $0x27ABE0;
	s16 =	simm.s32 @p3 $0x60  }
0x10: {  	s15 =	ssub.s32 @!p1 s17, s15;
	s14 =	ssub.s32 @!p1 s16, s14  }
0x11: {  	s18 =	smov.u32 s12;
	s16 =	sadd.s32 @!p1 $0xFFD85420, s15;
	s17 =	sadd.s32 @!p1 $0xFFFFFFA0, s14  }
0x12: {  	s15 =	ssub.s32 @!p1 $0x27AC60, s15;
	p2 =	sgt.s32 @!p1 s16, $0x7F;
	p3 =	sgt.s32 @!p1 s17, $0x1F  }
0x13: {  	s14 =	ssub.s32 @!p1 $0x80, s14;
	p2 =	por !p2, p1;
	p3 =	por !p3, p1  }
0x14: {  	s16 =	sadd.s32 $0x1000, s11;
	s15 =	simm.s32 @!p2 $0x0;
	s14 =	simm.s32 @!p3 $0x0  }
0x15: {  	p2 =	sgt.s32 s16, $0x27AC59;
	s14 =	smul.u32 @!p1 s14, s15;
	s15 =	sadd.s32 $0x20, s12  }
0x16: {  	s18 =	smov.u32 @p2 s15  }
0x17: {  	s16 =	smov.u32 @p2 s3;
	p2 =	sgt.s32 s18, $0x1F  }
0x18: {  	s18 =	simm.s32 @p2 $0x0;
	p2 =	sne.s32 s13, s7  }
.Ltmp1:
0x19: {  	p0 =	por !p0, !p0;
	s17 =	simm.s32 @!p1 $0x2;
	(pc) =	sbr.rel @!p2 .LBB1_6-.Ltmp1, $4  }
0x1a: {  	s15 =	smov.u32 s9;
	s9 =	smov.u32 s11;
	s14 =	sand.u32 @!p1 $0x3FFFFFFF, s14  }
0x1b: {  	s11 =	smov.u32 s16;
	_ =	swait.ge @!p1 [sflag:s17], s14;
	s19 =	ssub.s32 @!p1 $0x0, s14  }
0x1c: {  	s14 =	smov.u32 s10;
	s13 =	sadd.s32 $0x1, s13;
	[sflag:s17] =	ssyncset.done @!p1 $0x0  }
0x1d: {  	s10 =	smov.u32 s12;
	s12 =	smov.u32 s18;
	[sflag:s17] =	ssyncadd.s32 @!p1 s19  }
.LBB1_1:
0x1e: {  	p1 =	sgt.u32 s13, s6  }
0x1f: {  	s16 =	sshrl.u32 @!p1 s12, $0x3  }
0x20: {  	s17 =	sshll.u32 @!p1 s11, $0x3;
	s16 =	smul.u32 @!p1 $0x13D6400, s16  }
0x21: {  	s18 =	sshll.u32 @!p1 s12, $0x7;
	s17 =	sand.u32 @!p1 $0xFFFFFC00, s17  }
0x22: {  	s16 =	sadd.s32 @!p1 s16, s17;
	s17 =	sand.u32 @!p1 $0x380, s18  }
0x23: {  	s18 =	sand.u32 @!p1 $0x7F, s11;
	s16 =	sor.u32 @!p1 s17, s16  }
0x24: {  	s17 =	sor.u32 @!p1 s18, s16  }
0x25: {  	s18 =	smulhi.u32 @!p1 $0xCE7BD5B5, s17;
	_ =	sdelay $0x1  }
0x26: {  	s16 =	smulhi.u32 @!p1 $0xCE7BD5B5, s16;
	s18 =	sshrl.u32 @!p1 s18, $0x15  }
0x27: {  	s18 =	smul.u32 @!p1 $0x27AC80, s18  }
0x28: {  	s19 =	sxor.u32 @!p1 $0xFFFFFFFF, s13;
	s16 =	sshrl.u32 @!p1 s16, $0x15  }
0x29: {  	s19 =	sshll.u32 @!p1 s19, $0xC;
	s16 =	sand.u32 @!p1 $0x1F, s16;
	s17 =	ssub.s32 @!p1 s17, s18  }
0x2a: {  	s16 =	smul.u32 @!p1 $0x4F590, s16;
	s18 =	sshrl.u32 @!p1 s17, $0x3;
	s17 =	sand.u32 @!p1 $0x7, s17  }
0x2b: {  	s19 =	sand.u32 @!p1 $0x1000, s19;
	s18 =	sadd.s32 @!p1 s2, s18;
	s17 =	sshll.u32 @!p1 s17, $0x12  }
0x2c: {  	s16 =	sadd.s32 @!p1 s16, s18;
	s17 =	sor.u32 @!p1 $0x400, s17;
	s18 =	simm.s32 @!p1 $0x13D6400  }
0x2d: {  	[tilespmem:s19], [sflag:$0x1] =	stream.strided.gather @!p1 [hbm4b:s16+s17], $0x1000, s18, s17, $0x38;
	[tilespmem:$0x4100] =	vst v63  }
0x2e: {  	p1 =	seq.s32 s13, $0x0  }
0x2f: {  	p2 =	sge.u32 @!p1 s13, s7  }
0x30: {  	p1 =	por p1, p2  }
.Ltmp2:
0x31: {  	_ = 	snop;
	(pc) =	sbr.rel @p1 .LBB1_5-.Ltmp2, $1  }
0x32: {  	_ =	sdelay $0x3  }
0x33: {  	s16 =	simm.s32 $0x1  }
0x34: {  	_ =	swait.ge [sflag:s4], $0x1000;
	s16 =	simm.s32 @!p0 $0x0  }
0x35: {  	[sflag:s4] =	ssyncset.done $0x0;
	s17 =	sshll.u32 s16, $0xC  }
0x36: {  	[sflag:s4] =	ssyncadd.s32 $0xFFFFF000;
	s18 =	sor.u32 $0x40, s17  }
0x37: {  	s16 =	smul.u32 $0x4200, s16;
	v0 =	vld [tilespmem:s18+$0x30]  }
0x38: {  	v1 =	vld [tilespmem:s18+$0xFFFFFFD0]  }
0x39: {  	s16 =	sshrl.u32 s16, $0x2;
	v5 =	vld [tilespmem:s18+$0xFFFFFFE0]  }
0x3a: {  	v6 =	vld [tilespmem:s18+$0xFFFFFFF0];
	s19 =	sor.u32 $0x2000, s16  }
0x3b: {  	s31 =	sand.u32 $0x1, s13;
	v4 =	vld [tilespmem:s18+$0x0];
	s17 =	sadd.s32 $0x0, s19  }
0x3c: {  	v3 =	vld [tilespmem:s18+$0x10];
	s16 =	smul.u32 $0x4200, s31;
	[tilespmem:s17+$0xE70 ss:$0x21] =	vst.msk $0xffff, v0  }
0x3d: {  	v2 =	vld [tilespmem:s18+$0x20];
	[tilespmem:s17+$0x210 ss:$0x21] =	vst.msk $0xffff, v1  }
0x3e: {  	s16 =	sshrl.u32 s16, $0x2;
	v1 =	vld [tilespmem:s18+$0xFFFFFFC0];
	[tilespmem:s17+$0x420 ss:$0x21] =	vst.msk $0xffff, v5;
	s18 =	sadd.s32 $0x80, s18  }
0x3f: {  	s20 =	simm.s32 $0x4;
	s21 =	simm.s32 $0x8;
	s16 =	sor.u32 $0x2000, s16;
	[tilespmem:s17+$0x630 ss:$0x21] =	vst.msk $0xffff, v6;
	v0 =	vld [tilespmem:s18+$0x30]  }
.LBB1_3:
0x40: {  	p1 =	sne.s32 s21, $0x7C;
	v5 =	vld [tilespmem:s18+$0xFFFFFFD0];
	[tilespmem:s17+$0x840 ss:$0x21] =	vst.msk $0xffff, v4  }
0x41: {  	v6 =	vld [tilespmem:s18+$0xFFFFFFE0];
	[tilespmem:s17+$0xA50 ss:$0x21] =	vst.msk $0xffff, v3  }
0x42: {  	s22 =	sshra.s32 s20, $0x2;
	s20 =	smov.u32 s21;
	v7 =	vld [tilespmem:s18+$0xFFFFFFF0];
	[tilespmem:s17+$0xC60 ss:$0x21] =	vst.msk $0xffff, v2  }
.Ltmp3:
0x43: {  	v4 =	vld [tilespmem:s18+$0x0];
	[tilespmem:s17+$0x0 ss:$0x21] =	vst.msk $0xffff, v1;
	s17 =	sadd.s32 s22, s19;
	(pc) =	sbr.rel @p1 .LBB1_3-.Ltmp3, $4  }
0x44: {  	v3 =	vld [tilespmem:s18+$0x10];
	[tilespmem:s17+$0xE70 ss:$0x21] =	vst.msk $0xffff, v0  }
0x45: {  	[tilespmem:s17+$0x210 ss:$0x21] =	vst.msk $0xffff, v5;
	v2 =	vld [tilespmem:s18+$0x20]  }
0x46: {  	v1 =	vld [tilespmem:s18+$0xFFFFFFC0];
	[tilespmem:s17+$0x420 ss:$0x21] =	vst.msk $0xffff, v6;
	s18 =	sadd.s32 $0x80, s18  }
0x47: {  	s21 =	sadd.s32 $0x4, s21;
	v0 =	vld [tilespmem:s18+$0x30];
	[tilespmem:s17+$0x630 ss:$0x21] =	vst.msk $0xffff, v7  }
0x48: {  	s21 =	sshll.u32 s9, $0x7;
	s22 =	sshll.u32 s10, $0x3;
	s20 =	sshra.s32 s20, $0x2  }
0x49: {  	p1 =	sgt.s32 s9, $0x27ABE0;
	s23 =	sand.u32 $0xFFFFFC00, s21;
	s22 =	sand.u32 $0xFFFFFC00, s22  }
0x4a: {  	v5 =	vld [tilespmem:s18+$0xFFFFFFD0];
	s30 =	sshra.s32 s9, $0x1F;
	s21 =	sand.u32 $0x380, s21;
	s22 =	sadd.s32 s22, s23  }
0x4b: {  	v6 =	vld [tilespmem:s18+$0xFFFFFFE0];
	[tilespmem:s17+$0x840 ss:$0x21] =	vst.msk $0xffff, v4;
	s25 =	sshra.s32 s10, $0x1F;
	s19 =	sadd.s32 s20, s19;
	s29 =	sor.u32 s21, s22  }
0x4c: {  	v60 =	vld [tilespmem:s18+$0xFFFFFFF0];
	[tilespmem:s17+$0xA50 ss:$0x21] =	vst.msk $0xffff, v3;
	s21 =	smov.u32 s9;
	s22 =	sand.u32 s30, s9;
	s30 =	sand.u32 $0x7, s10  }
0x4d: {  	v61 =	vld [tilespmem:s18+$0x0];
	[tilespmem:s17+$0xC60 ss:$0x21] =	vst.msk $0xffff, v2;
	s20 =	sshrl.u32 s29, $0x7;
	s21 =	simm.s32 @!p1 $0x27ABE0;
	p1 =	sgt.s32 s10, $0x60  }
0x4e: {  	v62 =	vld [tilespmem:s18+$0x10];
	[tilespmem:s17+$0x0 ss:$0x21] =	vst.msk $0xffff, v1;
	s29 =	sshrl.u32 s10, $0x3;
	s24 =	ssub.s32 s21, s22;
	s21 =	smov.u32 s10  }
0x4f: {  	v63 =	vld [tilespmem:s18+$0x20];
	[tilespmem:s19+$0xE70 ss:$0x21] =	vst.msk $0xffff, v0;
	s31 =	smulhi.u32 $0x19CF8F9, s20;
	s22 =	sand.u32 s25, s10;
	s21 =	simm.s32 @!p1 $0x60  }
0x50: {  	[tilespmem:s19+$0x210 ss:$0x21] =	vst.msk $0xffff, v5;
	s27 =	sadd.s32 $0xFFD85420, s24;
	s17 =	ssub.s32 $0x27AC60, s24;
	s21 =	ssub.s32 s21, s22  }
0x51: {  	v7 =	vld [tilespmem:s18+$0xFFFFFFC0];
	[tilespmem:s19+$0x420 ss:$0x21] =	vst.msk $0xffff, v6;
	s26 =	sshrl.u32 s31, $0xE;
	p1 =	sgt.s32 s27, $0x7F;
	s28 =	sadd.s32 $0xFFFFFFA0, s21  }
0x52: {  	[tilespmem:s19+$0x630 ss:$0x21] =	vst.msk $0xffff, v60;
	s18 =	smul.u32 $0x27AC60, s26;
	s21 =	ssub.s32 $0x80, s21;
	p2 =	sgt.s32 s28, $0x1F  }
.Ltmp4:
0x53: {  	[tilespmem:s19+$0x840 ss:$0x21] =	vst.msk $0xffff, v61;
	s17 =	simm.s32 @p1 $0x0;
	s21 =	simm.s32 @p2 $0x0;
	(pc) =	sbr.rel .LBB1_5-.Ltmp4, $4  }
0x54: {  	[tilespmem:s19+$0xA50 ss:$0x21] =	vst.msk $0xffff, v62;
	s18 =	ssub.s32 s20, s18;
	s20 =	sand.u32 $0xF, s29;
	s17 =	smul.u32 s21, s17  }
0x55: {  	[tilespmem:s19+$0xC60 ss:$0x21] =	vst.msk $0xffff, v63;
	s18 =	sshll.u32 s18, $0x4;
	s20 =	sadd.s32 s5, s20;
	s21 =	sshll.u32 s30, $0x12  }
0x56: {  	[tilespmem:s19+$0x0 ss:$0x21] =	vst.msk $0xffff, v7;
	s18 =	sadd.s32 s18, s20;
	s31 =	sor.u32 $0x20, s21;
	s17 =	sand.u32 $0x3FFFFFFF, s17  }
0x57: {  	[hbm4b:s18+s31] =	stream.strided.scatter [tilespmem:s16], [sflag:$0x2], s17, s8, s31, $0x10;
	[tilespmem:$0x4100] =	vst v63  }
.LBB1_6:
0x58: {  	_ =	sfence.sel $0x180000  }
0x59: {  	s2 =	simm.s32 $0x1;
	[bflag:$0x0] =	sbarrier.arrive $0xFFFF  }
0x5a: {  	s31 =	simm.s32 $0x2;
	[sflag:s2] =	ssyncpa.u1 $0x1  }
0x5b: {  	[sflag:s31] =	ssyncpa.u1 $0x1  }
0x5c: {  	p0 =	sne.s32 s1, $0x0;
	_ =	strace $0x90000047  }
0x5d: {  	s0 =	sadd.s32 @!p0 $0x100000, s0;
	[bflag:$0x2] =	sbarrier.arrive $0xFFFF  }
0x5e: {  	[sflag:s0] =	ssyncadd.tile.s32 @!p0 $0x1;
	_ =	shalt  }
.Lfunc_end1:
_tile_overlayer_lowered:
.L_overlay_start_2:
0x5f: {  	(tag) =	ssettag $0x2  }
0x60: {  	s0 =	rddreg [dreg:$0x0];
	s2 =	stileid.u32  }
0x61: {  	s1 =	rddreg [dreg:$0x1];
	p0 =	sne.s32 s2, $0x0  }
0x62: {  	s3 =	rddreg [dreg:$0x2];
	[bflag:$0x3] =	sbarrier.arrive $0xFFFF;
	s2 =	simm.s32 @!p0 $0x1C01  }
0x63: {  	[timem:s3], [sflag:s2] =	dma.local @!p0 [hbm:s0], s1  }
0x64: {  	s0 =	simm.s32 @!p0 $0x1  }
0x65: {  	_ =	swait.ge @!p0 [sflag:s0], s1  }
0x66: {  	s1 =	ssub.s32 @!p0 $0x0, s1;
	[sflag:s0] =	ssyncset.done @!p0 $0x0  }
0x67: {  	[sflag:s0] =	ssyncadd.s32 @!p0 s1  }
0x68: {  	[bflag:$0x3] =	sbarrier.arrive $0xFFFF  }
0x69: {  	_ =	shalt  }

</sc_bundles>
